<compile_context>
chip_gen: v7x
topology: tpu7x:2x2x1
jax: 0.10.2.dev20260603
libtpu: 0.0.44.dev20260713+nightly
codegen_flags: <defaults>
</compile_context>

<pallas_src>
import jax
import jax.numpy as jnp
from jax import lax
from jax.experimental import pallas as pl
from jax.experimental.pallas import tpu as pltpu
from jax.experimental.pallas import tpu_sc as plsc

_BINS = 512
_NFIELD = 5
_FIELD = 20


def _split(a):
    hi = a.astype(jnp.bfloat16)
    lo = (a - hi.astype(jnp.float32)).astype(jnp.bfloat16)
    return hi, lo


def _dotb(a, b):
    return jnp.dot(a, b, preferred_element_type=jnp.float32)


def _dense_body(sub_ref, vf_ref, mrow_ref, mcol_ref, eoh_ref,
                w1ah_ref, w1al_ref, w1bh_ref, w1bl_ref, b1_ref,
                w2ah_ref, w2al_ref, b2a_ref, w2bh_ref, w2bl_ref, b2b_ref,
                wsh_ref, wsl_ref, bs_ref, probs_out):
    for j in range(sub_ref.shape[0]):
        _dense_one(j, sub_ref, vf_ref, mrow_ref, mcol_ref, eoh_ref,
                   w1ah_ref, w1al_ref, w1bh_ref, w1bl_ref, b1_ref,
                   w2ah_ref, w2al_ref, b2a_ref, w2bh_ref, w2bl_ref, b2b_ref,
                   wsh_ref, wsl_ref, bs_ref, probs_out)


def _dense_one(j, sub_ref, vf_ref, mrow_ref, mcol_ref, eoh_ref,
               w1ah_ref, w1al_ref, w1bh_ref, w1bl_ref, b1_ref,
               w2ah_ref, w2al_ref, b2a_ref, w2bh_ref, w2bl_ref, b2b_ref,
               wsh_ref, wsl_ref, bs_ref, probs_out):
    f32 = jnp.float32
    bf16 = jnp.bfloat16
    sub_i = sub_ref[j]
    sub = sub_i.astype(f32)
    vf = vf_ref[j]
    mrow = mrow_ref[j]
    mcol = mcol_ref[j]
    eoh = eoh_ref[j]

    vfm = vf * mcol
    asm = sub * mrow
    asm_b = asm.astype(bf16)
    vfh, vfl = _split(vfm)
    sws = _dotb(asm_b, vfh) + _dotb(asm_b, vfl)
    size = jnp.sum(asm, axis=1, keepdims=True) + 0.0001
    mu = jnp.mean(sws, axis=1, keepdims=True)
    var = jnp.mean((sws - mu) ** 2, axis=1, keepdims=True)
    z = (sws - mu) * lax.rsqrt(var + 1e-5 * (size * size))

    sub_b = sub.astype(bf16)
    pf = _dotb(sub_b, eoh.astype(bf16))
    nf, fw = _NFIELD, _FIELD
    ncols = nf * fw
    col_field = lax.broadcasted_iota(jnp.int32, (nf, ncols), 1) // fw
    row_id = lax.broadcasted_iota(jnp.int32, (nf, ncols), 0)
    expand = (col_field == row_id).astype(bf16)
    pfe = _dotb(pf.astype(bf16), expand)
    th = (lax.broadcasted_iota(jnp.int32, (1, ncols), 1) % fw).astype(f32)
    pf_oh_b = (th <= pfe).astype(bf16)

    zh, zl = _split(z)
    x = (_dotb(zh, w1ah_ref[...]) + _dotb(zh, w1al_ref[...])
         + _dotb(zl, w1ah_ref[...])
         + _dotb(pf_oh_b, w1bh_ref[...]) + _dotb(pf_oh_b, w1bl_ref[...])
         + b1_ref[...])
    x = jnp.maximum(x, 0.0)
    xb = x.astype(bf16)
    x = jnp.maximum(_dotb(xb, w2ah_ref[...]) + _dotb(xb, w2al_ref[...])
                    + b2a_ref[...], 0.0)
    xb = x.astype(bf16)
    x = jnp.maximum(_dotb(xb, w2bh_ref[...]) + _dotb(xb, w2bl_ref[...])
                    + b2b_ref[...], 0.0)
    mu2 = jnp.mean(x, axis=1, keepdims=True)
    var2 = jnp.mean((x - mu2) ** 2, axis=1, keepdims=True)
    z2 = (x - mu2) * lax.rsqrt(var2 + 1e-5)
    z2b = z2.astype(bf16)

    scores = _dotb(z2b, wsh_ref[...]) + _dotb(z2b, wsl_ref[...]) + bs_ref[...]
    m = jnp.max(scores, axis=0, keepdims=True)
    e = jnp.exp(scores - m)
    p = e / jnp.sum(e, axis=0, keepdims=True)
    probs_out[j] = p


def kernel(vert_feat_in, vert_mask_in, vert_element_oh, adj_oh, atom_subsets,
           atom_subsets_peaks, ln1_g, ln1_b, W1, b1, W2a, b2a, W2b, b2b,
           ln2_g, ln2_b, Ws, bs):
    B, A, GF = vert_feat_in.shape
    S = atom_subsets.shape[1]
    P = atom_subsets_peaks.shape[2]
    D = W1.shape[1]
    NE = vert_element_oh.shape[2]
    FE = W1.shape[0] - GF

    mrow = vert_mask_in.reshape(B, 1, A)
    mcol = vert_mask_in.reshape(B, A, 1)

    W1a = ln1_g[:, None] * W1[:GF]
    b1_eff = b1 + ln1_b @ W1[:GF]
    W1b = W1[GF:]
    Wse = ln2_g[:, None] * Ws
    bs_eff = bs + ln2_b @ Ws

    def sp(w):
        hi = w.astype(jnp.bfloat16)
        lo = (w - hi.astype(jnp.float32)).astype(jnp.bfloat16)
        return hi, lo

    w1ah, w1al = sp(W1a)
    w1bh, w1bl = sp(W1b)
    w2ah, w2al = sp(W2a)
    w2bh, w2bl = sp(W2b)
    wsh, wsl = sp(Wse)

    BB = 4

    def b3(shape):
        return pl.BlockSpec((BB,) + shape, lambda b: (b,) + (0,) * len(shape))

    def wspec(shape):
        return pl.BlockSpec(shape, lambda b: (0,) * len(shape))

    probs3 = pl.pallas_call(
        _dense_body,
        grid=(B // BB,),
        in_specs=[
            b3((S, A)),
            b3((A, GF)),
            b3((1, A)),
            b3((A, 1)),
            b3((A, NE)),
            wspec((GF, D)), wspec((GF, D)),
            wspec((FE, D)), wspec((FE, D)),
            wspec((1, D)),
            wspec((D, D)), wspec((D, D)), wspec((1, D)),
            wspec((D, D)), wspec((D, D)), wspec((1, D)),
            wspec((D, 1)), wspec((D, 1)), wspec((1, 1)),
        ],
        out_specs=pl.BlockSpec((BB, S, 1), lambda b: (b, 0, 0)),
        out_shape=jax.ShapeDtypeStruct((B, S, 1), jnp.float32),
    )(atom_subsets, vert_feat_in, mrow, mcol, vert_element_oh,
      w1ah, w1al, w1bh, w1bl, b1_eff.reshape(1, D),
      w2ah, w2al, b2a.reshape(1, D), w2bh, w2bl, b2b.reshape(1, D),
      wsh, wsl, bs_eff.reshape(1, 1))

    probs = probs3.reshape(B, S)

    nitems = S * P
    sp2 = nitems * 2
    peaks_flat = atom_subsets_peaks.reshape(B, sp2)

    def _hist_body(peaks_hbm, probs_hbm, out_hbm, peaks_v, probs_v, hist_v):
        f32 = jnp.float32
        wid = lax.axis_index("s") * 2 + lax.axis_index("c")
        pltpu.sync_copy(peaks_hbm.at[wid], peaks_v)
        pltpu.sync_copy(probs_hbm.at[wid], probs_v)
        zeros16 = jnp.zeros((16,), f32)
        iota16 = lax.iota(jnp.int32, 16)

        def zbody(i, c):
            hist_v[pl.ds(i * 16, 16)] = zeros16
            return c

        lax.fori_loop(0, _BINS // 16, zbody, 0)

        def body(i, c):
            lane = i * 16 + iota16
            mass = plsc.load_gather(peaks_v, [lane * 2])
            inten = plsc.load_gather(peaks_v, [lane * 2 + 1])
            pr = plsc.load_gather(probs_v, [lane // P])
            bn = jnp.clip((mass + 0.5).astype(jnp.int32), 0, _BINS - 1)
            plsc.addupdate_scatter(hist_v, [bn], inten * pr)
            return c

        lax.fori_loop(0, nitems // 16, body, 0)
        pltpu.sync_copy(hist_v, out_hbm.at[wid])

    spect = pl.kernel(
        _hist_body,
        mesh=plsc.VectorSubcoreMesh(core_axis_name="c", subcore_axis_name="s"),
        compiler_params=pltpu.CompilerParams(needs_layout_passes=False),
        out_type=jax.ShapeDtypeStruct((B, _BINS), jnp.float32),
        scratch_types=[
            pltpu.VMEM((sp2,), jnp.float32),
            pltpu.VMEM((S,), jnp.float32),
            pltpu.VMEM((_BINS,), jnp.float32),
        ],
    )(peaks_flat, probs)

    return (spect, probs)

# --- scband reference (transcript-rebuilt; emitter-appended) ---
"""Pipeline reference for scband-subsets-sample-weighted-formula-71347996721714 (READ-ONLY COPY).

The authoritative reference and input builder live on the scoring server;
editing this copy changes nothing except your own understanding.
"""

import jax, jax.numpy as jnp
import numpy as np

SIZES = [20, 20, 20, 20, 20]
BINS = 512


def _structured_one_hot(vals):
    # vals: [N, F] int; accum=True -> thermometer (cumulative) encoding per field
    outs = []
    for i, s in enumerate(SIZES):
        v = jnp.clip(vals[:, i], 0, s - 1)
        outs.append((jnp.arange(s)[None, :] <= v[:, None]).astype(jnp.float32))
    return jnp.concatenate(outs, axis=-1)


def _layernorm(x, g, b, eps=1e-5):
    m = x.mean(-1, keepdims=True)
    v = ((x - m) ** 2).mean(-1, keepdims=True)
    return (x - m) / jnp.sqrt(v + eps) * g + b


def setup_inputs(seed: int = 0):
    key = jax.random.key(seed)
    ks = jax.random.split(key, 12)
    B, A, S, GF, P, D = 32, 64, 2048, 256, 4, 256
    FE = int(np.sum(SIZES))
    vert_feat_in = jax.random.normal(ks[0], (B, A, GF), jnp.float32)
    vert_mask_in = jnp.ones((B, A), jnp.float32)
    elem_idx = jax.random.randint(ks[1], (B, A), 0, 5)
    vert_element_oh = jax.nn.one_hot(elem_idx, 5, dtype=jnp.float32)
    adj_oh = jax.random.uniform(ks[2], (B, A, A, 4), dtype=jnp.float32)
    atom_subsets = jax.random.randint(ks[3], (B, S, A), 0, 2).astype(jnp.int32)
    masses = jax.random.uniform(ks[4], (B, S, P), dtype=jnp.float32) * 500.0
    intens = jax.random.uniform(ks[5], (B, S, P), dtype=jnp.float32)
    atom_subsets_peaks = jnp.stack([masses, intens], axis=-1)

    def lin(k, din, dout):
        lim = 1.0 / np.sqrt(din)
        kw, kb = jax.random.split(k)
        W = jax.random.uniform(kw, (din, dout), minval=-lim, maxval=lim, dtype=jnp.float32)
        b = jax.random.uniform(kb, (dout,), minval=-lim, maxval=lim, dtype=jnp.float32)
        return W, b

    W1, b1 = lin(ks[6], GF + FE, D)
    W2a, b2a = lin(ks[7], D, D)
    W2b, b2b = lin(ks[8], D, D)
    Ws, bs = lin(ks[9], D, 1)
    return {
        'vert_feat_in': vert_feat_in, 'vert_mask_in': vert_mask_in,
        'vert_element_oh': vert_element_oh, 'adj_oh': adj_oh,
        'atom_subsets': atom_subsets, 'atom_subsets_peaks': atom_subsets_peaks,
        'ln1_g': jnp.ones((GF,), jnp.float32), 'ln1_b': jnp.zeros((GF,), jnp.float32),
        'W1': W1, 'b1': b1, 'W2a': W2a, 'b2a': b2a, 'W2b': W2b, 'b2b': b2b,
        'ln2_g': jnp.ones((D,), jnp.float32), 'ln2_b': jnp.zeros((D,), jnp.float32),
        'Ws': Ws, 'bs': bs,
    }


def reference(vert_feat_in, vert_mask_in, vert_element_oh, adj_oh, atom_subsets,
              atom_subsets_peaks, ln1_g, ln1_b, W1, b1, W2a, b2a, W2b, b2b,
              ln2_g, ln2_b, Ws, bs):
    B, A, GF = vert_feat_in.shape
    S = atom_subsets.shape[1]
    masked_vert_feat = vert_feat_in * vert_mask_in[:, :, None]
    atom_subsets_masked = atom_subsets.astype(jnp.float32) * vert_mask_in[:, None, :]
    sample_weighted_vert_sum = jnp.einsum('ijk,ilj->ilk', masked_vert_feat, atom_subsets_masked)
    possible_formulae = jnp.einsum('bae,bfa->bfe', vert_element_oh, atom_subsets.astype(jnp.float32))
    pf_int = possible_formulae.astype(jnp.int32)  # torch .byte() cast
    pf_oh = _structured_one_hot(pf_int.reshape(-1, pf_int.shape[-1])).reshape(B, S, -1)
    subset_size = atom_subsets_masked.sum(axis=2) + 0.0001
    sample_weighted_vert_mean = sample_weighted_vert_sum / subset_size[:, :, None]
    subset_normed = _layernorm(sample_weighted_vert_mean, ln1_g, ln1_b)
    x = jax.nn.relu(jnp.concatenate([subset_normed, pf_oh], axis=-1) @ W1 + b1)
    x = jax.nn.relu(x @ W2a + b2a)
    x = jax.nn.relu(x @ W2b + b2b)
    x = _layernorm(x, ln2_g, ln2_b)
    formulae_scores = (x @ Ws + bs)[..., 0]
    formulae_probs = jax.nn.softmax(formulae_scores, axis=-1)
    # sparse mass matrix sum + sparse mm == scatter-add into [B, BINS]
    masses = jnp.clip(jnp.round(atom_subsets_peaks[..., 0]).astype(jnp.int32), 0, BINS - 1)
    contrib = atom_subsets_peaks[..., 1] * formulae_probs[:, :, None]
    bidx = jnp.broadcast_to(jnp.arange(B)[:, None, None], masses.shape)
    flat_idx = (bidx * BINS + masses).reshape(-1)
    spect_out = jnp.zeros((B * BINS,), jnp.float32).at[flat_idx].add(contrib.reshape(-1)).reshape(B, BINS)
    return (spect_out, formulae_probs)

if __name__ == "__main__":
    import jax
    _d = setup_inputs()
    print(jax.jit(kernel)(*tuple(_d.values())))

</pallas_src>

<mosaic_0001>
#map = affine_map<(d0, d1) -> (0, 0)>
module attributes {stable_mosaic.version = 14 : i64} {
  func.func @_hist_body(%arg0: i32, %arg1: i32, %arg2: memref<32x16384xf32, #tpu.memory_space<hbm>>, %arg3: memref<32x2048xf32, #tpu.memory_space<hbm>>, %arg4: memref<32x512xf32, #tpu.memory_space<hbm>>, %arg5: memref<16384xf32, #tpu.memory_space<vmem>>, %arg6: memref<2048xf32, #tpu.memory_space<vmem>>, %arg7: memref<512xf32, #tpu.memory_space<vmem>>) attributes {dimension_semantics = [#tpu.dimension_semantics<core_parallel>, #tpu.dimension_semantics<subcore_parallel>], iteration_bounds = array<i64: 2, 16>, scalar_prefetch = 0 : i64, scratch_operands = 3 : i64, tpu.core_type = #tpu.core_type<sc_vector_subcore>, window_params = [{transform_indices = #map}, {transform_indices = #map}, {transform_indices = #map}]} {
    %mul3A = arith.constant 2 : i32
    %mul3A_0 = arith.muli %arg1, %mul3A : i32
    %add3A = arith.addi %mul3A_0, %arg0 : i32
    "tpu.region"() ({
      %run_scoped3A = tpu.sem_alloc : memref<!tpu.dma_semaphore, #tpu.memory_space<semaphore_mem>>
      %dma_start3A = arith.constant 0 : i32
      %dma_start3A_13 = tpu.memref_slice %arg2[%add3A, %dma_start3A] : memref<32x16384xf32, #tpu.memory_space<hbm>> -> memref<1x16384xf32, #tpu.memory_space<hbm>>
      %dma_start3A_14 = tpu.memref_squeeze %dma_start3A_13 : memref<1x16384xf32, #tpu.memory_space<hbm>> -> memref<16384xf32, #tpu.memory_space<hbm>>
      %dma_start3A_15 = arith.constant 0 : i32
      %dma_start3A_16 = tpu.memref_slice %arg2[%add3A, %dma_start3A_15] : memref<32x16384xf32, #tpu.memory_space<hbm>> -> memref<1x16384xf32, #tpu.memory_space<hbm>>
      %dma_start3A_17 = tpu.memref_squeeze %dma_start3A_16 : memref<1x16384xf32, #tpu.memory_space<hbm>> -> memref<16384xf32, #tpu.memory_space<hbm>>
      tpu.enqueue_dma source(%dma_start3A_17 : memref<16384xf32, #tpu.memory_space<hbm>>) target(%arg5 : memref<16384xf32, #tpu.memory_space<vmem>>) target_semaphore(%run_scoped3A : memref<!tpu.dma_semaphore, #tpu.memory_space<semaphore_mem>>)
      %dma_wait3A = arith.constant 0 : i32
      %dma_wait3A_18 = tpu.memref_slice %arg2[%add3A, %dma_wait3A] : memref<32x16384xf32, #tpu.memory_space<hbm>> -> memref<1x16384xf32, #tpu.memory_space<hbm>>
      %dma_wait3A_19 = tpu.memref_squeeze %dma_wait3A_18 : memref<1x16384xf32, #tpu.memory_space<hbm>> -> memref<16384xf32, #tpu.memory_space<hbm>>
      %dma_wait3A_20 = arith.constant 0 : i32
      %dma_wait3A_21 = tpu.memref_slice %arg2[%add3A, %dma_wait3A_20] : memref<32x16384xf32, #tpu.memory_space<hbm>> -> memref<1x16384xf32, #tpu.memory_space<hbm>>
      %dma_wait3A_22 = tpu.memref_squeeze %dma_wait3A_21 : memref<1x16384xf32, #tpu.memory_space<hbm>> -> memref<16384xf32, #tpu.memory_space<hbm>>
      tpu.wait_dma2 semaphore(%run_scoped3A : memref<!tpu.dma_semaphore, #tpu.memory_space<semaphore_mem>>) src(%dma_wait3A_22 : memref<16384xf32, #tpu.memory_space<hbm>>) dst(%arg5 : memref<16384xf32, #tpu.memory_space<vmem>>)
      tpu.yield
    }) : () -> ()
    "tpu.region"() ({
      %run_scoped3A = tpu.sem_alloc : memref<!tpu.dma_semaphore, #tpu.memory_space<semaphore_mem>>
      %dma_start3A = arith.constant 0 : i32
      %dma_start3A_13 = tpu.memref_slice %arg3[%add3A, %dma_start3A] : memref<32x2048xf32, #tpu.memory_space<hbm>> -> memref<1x2048xf32, #tpu.memory_space<hbm>>
      %dma_start3A_14 = tpu.memref_squeeze %dma_start3A_13 : memref<1x2048xf32, #tpu.memory_space<hbm>> -> memref<2048xf32, #tpu.memory_space<hbm>>
      %dma_start3A_15 = arith.constant 0 : i32
      %dma_start3A_16 = tpu.memref_slice %arg3[%add3A, %dma_start3A_15] : memref<32x2048xf32, #tpu.memory_space<hbm>> -> memref<1x2048xf32, #tpu.memory_space<hbm>>
      %dma_start3A_17 = tpu.memref_squeeze %dma_start3A_16 : memref<1x2048xf32, #tpu.memory_space<hbm>> -> memref<2048xf32, #tpu.memory_space<hbm>>
      tpu.enqueue_dma source(%dma_start3A_17 : memref<2048xf32, #tpu.memory_space<hbm>>) target(%arg6 : memref<2048xf32, #tpu.memory_space<vmem>>) target_semaphore(%run_scoped3A : memref<!tpu.dma_semaphore, #tpu.memory_space<semaphore_mem>>)
      %dma_wait3A = arith.constant 0 : i32
      %dma_wait3A_18 = tpu.memref_slice %arg3[%add3A, %dma_wait3A] : memref<32x2048xf32, #tpu.memory_space<hbm>> -> memref<1x2048xf32, #tpu.memory_space<hbm>>
      %dma_wait3A_19 = tpu.memref_squeeze %dma_wait3A_18 : memref<1x2048xf32, #tpu.memory_space<hbm>> -> memref<2048xf32, #tpu.memory_space<hbm>>
      %dma_wait3A_20 = arith.constant 0 : i32
      %dma_wait3A_21 = tpu.memref_slice %arg3[%add3A, %dma_wait3A_20] : memref<32x2048xf32, #tpu.memory_space<hbm>> -> memref<1x2048xf32, #tpu.memory_space<hbm>>
      %dma_wait3A_22 = tpu.memref_squeeze %dma_wait3A_21 : memref<1x2048xf32, #tpu.memory_space<hbm>> -> memref<2048xf32, #tpu.memory_space<hbm>>
      tpu.wait_dma2 semaphore(%run_scoped3A : memref<!tpu.dma_semaphore, #tpu.memory_space<semaphore_mem>>) src(%dma_wait3A_22 : memref<2048xf32, #tpu.memory_space<hbm>>) dst(%arg6 : memref<2048xf32, #tpu.memory_space<vmem>>)
      tpu.yield
    }) : () -> ()
    %broadcast_in_dim3A = arith.constant 0.000000e+00 : f32
    %broadcast_in_dim3A_1 = vector.broadcast %broadcast_in_dim3A : f32 to vector<16xf32>
    %iota3A = tpu.iota {dimensions = array<i32: 0>} : vector<16xi32>
    %scan3A = arith.constant 0 : i32
    %scan3A_2 = arith.constant 0 : i32
    %scan3A_3 = arith.constant 32 : i32
    %scan3A_4 = arith.addi %scan3A_2, %scan3A_3 : i32
    %scan3A_5 = arith.constant 1 : i32
    scf.for %scan3A_13 = %scan3A_2 to %scan3A_4 step %scan3A_5  : i32 {
      %mul3A_14 = arith.constant 16 : i32
      %mul3A_15 = arith.muli %scan3A_13, %mul3A_14 : i32
      %swap3A = arith.index_cast %mul3A_15 : i32 to index
      %swap3A_16 = tpu.vector_load %arg7[%swap3A] {strides = array<i32>} : memref<512xf32, #tpu.memory_space<vmem>>, vector<16xf32>,
      tpu.vector_store %arg7[%swap3A], %broadcast_in_dim3A_1 {strides = array<i32>} : memref<512xf32, #tpu.memory_space<vmem>>, vector<16xf32>,
    }
    %scan3A_6 = arith.constant 32 : i32
    %scan3A_7 = arith.constant 0 : i32
    %scan3A_8 = arith.constant 0 : i32
    %scan3A_9 = arith.constant 512 : i32
    %scan3A_10 = arith.addi %scan3A_8, %scan3A_9 : i32
    %scan3A_11 = arith.constant 1 : i32
    scf.for %scan3A_13 = %scan3A_8 to %scan3A_10 step %scan3A_11  : i32 {
      %mul3A_14 = arith.constant 16 : i32
      %mul3A_15 = arith.muli %scan3A_13, %mul3A_14 : i32
      %add3A_16 = vector.broadcast %mul3A_15 : i32 to vector<16xi32>
      %add3A_17 = arith.addi %add3A_16, %iota3A : vector<16xi32>
      %mul3A_18 = arith.constant 2 : i32
      %mul3A_19 = vector.broadcast %mul3A_18 : i32 to vector<16xi32>
      %mul3A_20 = arith.muli %add3A_17, %mul3A_19 : vector<16xi32>
      %gather3A = tpu.vector_load_idx %arg5[%mul3A_20] : memref<16384xf32, #tpu.memory_space<vmem>>[vector<16xi32>], vector<16xf32>,
      %mul3A_21 = arith.constant 2 : i32
      %mul3A_22 = vector.broadcast %mul3A_21 : i32 to vector<16xi32>
      %mul3A_23 = arith.muli %add3A_17, %mul3A_22 : vector<16xi32>
      %add3A_24 = arith.constant 1 : i32
      %add3A_25 = vector.broadcast %add3A_24 : i32 to vector<16xi32>
      %add3A_26 = arith.addi %mul3A_23, %add3A_25 : vector<16xi32>
      %gather3A_27 = tpu.vector_load_idx %arg5[%add3A_26] : memref<16384xf32, #tpu.memory_space<vmem>>[vector<16xi32>], vector<16xf32>,
      %jit3A = arith.constant 4 : i32
      %div3A = vector.broadcast %jit3A : i32 to vector<16xi32>
      %div3A_28 = arith.divsi %add3A_17, %div3A : vector<16xi32>
      %sign3A = arith.constant 0 : i32
      %sign3A_29 = vector.broadcast %sign3A : i32 to vector<16xi32>
      %sign3A_30 = arith.cmpi sgt, %add3A_17, %sign3A_29 : vector<16xi32>
      %sign3A_31 = arith.extui %sign3A_30 : vector<16xi1> to vector<16xi32>
      %sign3A_32 = arith.constant 0 : i32
      %sign3A_33 = vector.broadcast %sign3A_32 : i32 to vector<16xi32>
      %sign3A_34 = arith.cmpi slt, %add3A_17, %sign3A_33 : vector<16xi32>
      %sign3A_35 = arith.extui %sign3A_34 : vector<16xi1> to vector<16xi32>
      %sign3A_36 = arith.subi %sign3A_31, %sign3A_35 : vector<16xi32>
      %sign3A_37 = arith.constant 0 : i32
      %sign3A_38 = arith.cmpi sgt, %jit3A, %sign3A_37 : i32
      %sign3A_39 = arith.extui %sign3A_38 : i1 to i32
      %sign3A_40 = arith.constant 0 : i32
      %sign3A_41 = arith.cmpi slt, %jit3A, %sign3A_40 : i32
      %sign3A_42 = arith.extui %sign3A_41 : i1 to i32
      %sign3A_43 = arith.subi %sign3A_39, %sign3A_42 : i32
      %ne3A = vector.broadcast %sign3A_43 : i32 to vector<16xi32>
      %ne3A_44 = arith.cmpi ne, %sign3A_36, %ne3A : vector<16xi32>
      %rem3A = vector.broadcast %jit3A : i32 to vector<16xi32>
      %rem3A_45 = arith.remsi %add3A_17, %rem3A : vector<16xi32>
      %ne3A_46 = arith.constant 0 : i32
      %ne3A_47 = vector.broadcast %ne3A_46 : i32 to vector<16xi32>
      %ne3A_48 = arith.cmpi ne, %rem3A_45, %ne3A_47 : vector<16xi32>
      %and3A = arith.andi %ne3A_44, %ne3A_48 : vector<16xi1>
      %sub3A = arith.constant 1 : i32
      %sub3A_49 = vector.broadcast %sub3A : i32 to vector<16xi32>
      %sub3A_50 = arith.subi %div3A_28, %sub3A_49 : vector<16xi32>
      %select_n3A = arith.select %and3A, %sub3A_50, %div3A_28 : vector<16xi1>, vector<16xi32>
      %gather3A_51 = tpu.vector_load_idx %arg6[%select_n3A] : memref<2048xf32, #tpu.memory_space<vmem>>[vector<16xi32>], vector<16xf32>,
      %add3A_52 = arith.constant 5.000000e-01 : f32
      %add3A_53 = vector.broadcast %add3A_52 : f32 to vector<16xf32>
      %add3A_54 = arith.addf %gather3A, %add3A_53 : vector<16xf32>
      %convert_element_type3A = arith.fptosi %add3A_54 : vector<16xf32> to vector<16xi32>
      %jit3A_55 = arith.constant 0 : i32
      %jit3A_56 = arith.constant 511 : i32
      %max3A = vector.broadcast %jit3A_55 : i32 to vector<16xi32>
      %max3A_57 = arith.maxsi %max3A, %convert_element_type3A : vector<16xi32>
      %min3A = vector.broadcast %jit3A_56 : i32 to vector<16xi32>
      %min3A_58 = arith.minsi %min3A, %max3A_57 : vector<16xi32>
      %mul3A_59 = arith.mulf %gather3A_27, %gather3A_51 : vector<16xf32>
      tpu.vector_store_idx %arg7[%min3A_58], %mul3A_59 {add = true} : memref<512xf32, #tpu.memory_space<vmem>>[vector<16xi32>], vector<16xf32>,
    }
    %scan3A_12 = arith.constant 512 : i32
    "tpu.region"() ({
      %run_scoped3A = tpu.sem_alloc : memref<!tpu.dma_semaphore, #tpu.memory_space<semaphore_mem>>
      %dma_start3A = arith.constant 0 : i32
      %dma_start3A_13 = tpu.memref_slice %arg4[%add3A, %dma_start3A] : memref<32x512xf32, #tpu.memory_space<hbm>> -> memref<1x512xf32, #tpu.memory_space<hbm>>
      %dma_start3A_14 = tpu.memref_squeeze %dma_start3A_13 : memref<1x512xf32, #tpu.memory_space<hbm>> -> memref<512xf32, #tpu.memory_space<hbm>>
      %dma_start3A_15 = arith.constant 0 : i32
      %dma_start3A_16 = tpu.memref_slice %arg4[%add3A, %dma_start3A_15] : memref<32x512xf32, #tpu.memory_space<hbm>> -> memref<1x512xf32, #tpu.memory_space<hbm>>
      %dma_start3A_17 = tpu.memref_squeeze %dma_start3A_16 : memref<1x512xf32, #tpu.memory_space<hbm>> -> memref<512xf32, #tpu.memory_space<hbm>>
      tpu.enqueue_dma source(%arg7 : memref<512xf32, #tpu.memory_space<vmem>>) target(%dma_start3A_17 : memref<512xf32, #tpu.memory_space<hbm>>) target_semaphore(%run_scoped3A : memref<!tpu.dma_semaphore, #tpu.memory_space<semaphore_mem>>)
      %dma_wait3A = arith.constant 0 : i32
      %dma_wait3A_18 = tpu.memref_slice %arg4[%add3A, %dma_wait3A] : memref<32x512xf32, #tpu.memory_space<hbm>> -> memref<1x512xf32, #tpu.memory_space<hbm>>
      %dma_wait3A_19 = tpu.memref_squeeze %dma_wait3A_18 : memref<1x512xf32, #tpu.memory_space<hbm>> -> memref<512xf32, #tpu.memory_space<hbm>>
      %dma_wait3A_20 = arith.constant 0 : i32
      %dma_wait3A_21 = tpu.memref_slice %arg4[%add3A, %dma_wait3A_20] : memref<32x512xf32, #tpu.memory_space<hbm>> -> memref<1x512xf32, #tpu.memory_space<hbm>>
      %dma_wait3A_22 = tpu.memref_squeeze %dma_wait3A_21 : memref<1x512xf32, #tpu.memory_space<hbm>> -> memref<512xf32, #tpu.memory_space<hbm>>
      tpu.wait_dma2 semaphore(%run_scoped3A : memref<!tpu.dma_semaphore, #tpu.memory_space<semaphore_mem>>) src(%arg7 : memref<512xf32, #tpu.memory_space<vmem>>) dst(%dma_wait3A_22 : memref<512xf32, #tpu.memory_space<hbm>>)
      tpu.yield
    }) : () -> ()
    return
  }
}

module attributes {stable_mosaic.version = 14 : i64} {
  func.func @_dense_body(%arg0: i32, %arg1: memref<4x2048x64xi32, #tpu.memory_space<vmem>>, %arg2: memref<4x64x256xf32, #tpu.memory_space<vmem>>, %arg3: memref<4x1x64xf32, #tpu.memory_space<vmem>>, %arg4: memref<4x64x1xf32, #tpu.memory_space<vmem>>, %arg5: memref<4x64x5xf32, #tpu.memory_space<vmem>>, %arg6: memref<256x256xbf16, #tpu.memory_space<vmem>>, %arg7: memref<256x256xbf16, #tpu.memory_space<vmem>>, %arg8: memref<100x256xbf16, #tpu.memory_space<vmem>>, %arg9: memref<100x256xbf16, #tpu.memory_space<vmem>>, %arg10: memref<1x256xf32, #tpu.memory_space<vmem>>, %arg11: memref<256x256xbf16, #tpu.memory_space<vmem>>, %arg12: memref<256x256xbf16, #tpu.memory_space<vmem>>, %arg13: memref<1x256xf32, #tpu.memory_space<vmem>>, %arg14: memref<256x256xbf16, #tpu.memory_space<vmem>>, %arg15: memref<256x256xbf16, #tpu.memory_space<vmem>>, %arg16: memref<1x256xf32, #tpu.memory_space<vmem>>, %arg17: memref<256x1xbf16, #tpu.memory_space<vmem>>, %arg18: memref<256x1xbf16, #tpu.memory_space<vmem>>, %arg19: memref<1x1xf32, #tpu.memory_space<vmem>>, %arg20: memref<4x2048x1xf32, #tpu.memory_space<vmem>>) attributes {dimension_semantics = [#tpu.dimension_semantics<arbitrary>], iteration_bounds = array<i64: 8>, scalar_prefetch = 0 : i64, scratch_operands = 0 : i64, tpu.core_type = #tpu.core_type<tc>, window_params = [{transform_indices = @transform_0, window_bounds = array<i64: 4, 2048, 64>}, {transform_indices = @transform_1, window_bounds = array<i64: 4, 64, 256>}, {transform_indices = @transform_2, window_bounds = array<i64: 4, 1, 64>}, {transform_indices = @transform_3, window_bounds = array<i64: 4, 64, 1>}, {transform_indices = @transform_4, window_bounds = array<i64: 4, 64, 5>}, {pipeline_mode = #tpu.pipeline_mode<synchronous>, transform_indices = @transform_5, window_bounds = array<i64: 256, 256>}, {pipeline_mode = #tpu.pipeline_mode<synchronous>, transform_indices = @transform_6, window_bounds = array<i64: 256, 256>}, {pipeline_mode = #tpu.pipeline_mode<synchronous>, transform_indices = @transform_7, window_bounds = array<i64: 100, 256>}, {pipeline_mode = #tpu.pipeline_mode<synchronous>, transform_indices = @transform_8, window_bounds = array<i64: 100, 256>}, {pipeline_mode = #tpu.pipeline_mode<synchronous>, transform_indices = @transform_9, window_bounds = array<i64: 1, 256>}, {pipeline_mode = #tpu.pipeline_mode<synchronous>, transform_indices = @transform_10, window_bounds = array<i64: 256, 256>}, {pipeline_mode = #tpu.pipeline_mode<synchronous>, transform_indices = @transform_11, window_bounds = array<i64: 256, 256>}, {pipeline_mode = #tpu.pipeline_mode<synchronous>, transform_indices = @transform_12, window_bounds = array<i64: 1, 256>}, {pipeline_mode = #tpu.pipeline_mode<synchronous>, transform_indices = @transform_13, window_bounds = array<i64: 256, 256>}, {pipeline_mode = #tpu.pipeline_mode<synchronous>, transform_indices = @transform_14, window_bounds = array<i64: 256, 256>}, {pipeline_mode = #tpu.pipeline_mode<synchronous>, transform_indices = @transform_15, window_bounds = array<i64: 1, 256>}, {pipeline_mode = #tpu.pipeline_mode<synchronous>, transform_indices = @transform_16, window_bounds = array<i64: 256, 1>}, {pipeline_mode = #tpu.pipeline_mode<synchronous>, transform_indices = @transform_17, window_bounds = array<i64: 256, 1>}, {pipeline_mode = #tpu.pipeline_mode<synchronous>, transform_indices = @transform_18, window_bounds = array<i64: 1, 1>}, {transform_indices = @transform_19, window_bounds = array<i64: 4, 2048, 1>}]} {
    %get3A = arith.constant 0 : index
    %get3A_0 = arith.constant 0 : index
    %get3A_1 = arith.constant 0 : index
    %get3A_2 = vector.load %arg1[%get3A, %get3A_0, %get3A_1] : memref<4x2048x64xi32, #tpu.memory_space<vmem>>, vector<1x2048x64xi32>
    %get3A_3 = vector.shape_cast %get3A_2 : vector<1x2048x64xi32> to vector<2048x64xi32>
    %convert_element_type3A = arith.sitofp %get3A_3 : vector<2048x64xi32> to vector<2048x64xf32>
    %get3A_4 = arith.constant 0 : index
    %get3A_5 = arith.constant 0 : index
    %get3A_6 = arith.constant 0 : index
    %get3A_7 = vector.load %arg2[%get3A_4, %get3A_5, %get3A_6] : memref<4x64x256xf32, #tpu.memory_space<vmem>>, vector<1x64x256xf32>
    %get3A_8 = vector.shape_cast %get3A_7 : vector<1x64x256xf32> to vector<64x256xf32>
    %get3A_9 = arith.constant 0 : index
    %get3A_10 = arith.constant 0 : index
    %get3A_11 = arith.constant 0 : index
    %get3A_12 = vector.load %arg3[%get3A_9, %get3A_10, %get3A_11] : memref<4x1x64xf32, #tpu.memory_space<vmem>>, vector<1x1x64xf32>
    %get3A_13 = vector.shape_cast %get3A_12 : vector<1x1x64xf32> to vector<1x64xf32>
    %get3A_14 = arith.constant 0 : index
    %get3A_15 = arith.constant 0 : index
    %get3A_16 = arith.constant 0 : index
    %get3A_17 = vector.load %arg4[%get3A_14, %get3A_15, %get3A_16] : memref<4x64x1xf32, #tpu.memory_space<vmem>>, vector<1x64x1xf32>
    %get3A_18 = vector.shape_cast %get3A_17 : vector<1x64x1xf32> to vector<64x1xf32>
    %get3A_19 = arith.constant 0 : index
    %get3A_20 = arith.constant 0 : index
    %get3A_21 = arith.constant 0 : index
    %get3A_22 = vector.load %arg5[%get3A_19, %get3A_20, %get3A_21] : memref<4x64x5xf32, #tpu.memory_space<vmem>>, vector<1x64x5xf32>
    %get3A_23 = vector.shape_cast %get3A_22 : vector<1x64x5xf32> to vector<64x5xf32>
    %mul3A = vector.broadcast %get3A_18 : vector<64x1xf32> to vector<64x256xf32>
    %mul3A_24 = arith.mulf %get3A_8, %mul3A : vector<64x256xf32>
    %mul3A_25 = vector.broadcast %get3A_13 : vector<1x64xf32> to vector<2048x64xf32>
    %mul3A_26 = arith.mulf %convert_element_type3A, %mul3A_25 : vector<2048x64xf32>
    %convert_element_type3A_27 = arith.truncf %mul3A_26 : vector<2048x64xf32> to vector<2048x64xbf16>
    %convert_element_type3A_28 = arith.truncf %mul3A_24 : vector<64x256xf32> to vector<64x256xbf16>
    %convert_element_type3A_29 = arith.extf %convert_element_type3A_28 : vector<64x256xbf16> to vector<64x256xf32>
    %sub3A = arith.subf %mul3A_24, %convert_element_type3A_29 : vector<64x256xf32>
    %convert_element_type3A_30 = arith.truncf %sub3A : vector<64x256xf32> to vector<64x256xbf16>
    %dot_general3A = arith.constant dense<0.000000e+00> : vector<2048x256xf32>
    %dot_general3A_31 = tpu.matmul %convert_element_type3A_27, %convert_element_type3A_28, %dot_general3A {dimension_numbers = #tpu.dot_dimension_numbers<[1], [0], [0], [1], [0, 0, 1, 1], [], []>, transpose_lhs_hint = false} : vector<2048x64xbf16>, vector<64x256xbf16>, vector<2048x256xf32> -> vector<2048x256xf32>
    %dot_general3A_32 = arith.constant dense<0.000000e+00> : vector<2048x256xf32>
    %dot_general3A_33 = tpu.matmul %convert_element_type3A_27, %convert_element_type3A_30, %dot_general3A_32 {dimension_numbers = #tpu.dot_dimension_numbers<[1], [0], [0], [1], [0, 0, 1, 1], [], []>, transpose_lhs_hint = false} : vector<2048x64xbf16>, vector<64x256xbf16>, vector<2048x256xf32> -> vector<2048x256xf32>
    %add3A = arith.addf %dot_general3A_31, %dot_general3A_33 : vector<2048x256xf32>
    %reduce_sum3A = arith.constant dense<0.000000e+00> : vector<2048xf32>
    %reduce_sum3A_34 = vector.multi_reduction <add>, %mul3A_26, %reduce_sum3A [1] : vector<2048x64xf32> to vector<2048xf32>
    %broadcast_in_dim3A = vector.shape_cast %reduce_sum3A_34 : vector<2048xf32> to vector<2048x1xf32>
    %add3A_35 = arith.constant 9.99999974E-5 : f32
    %add3A_36 = vector.broadcast %add3A_35 : f32 to vector<2048x1xf32>
    %add3A_37 = arith.addf %broadcast_in_dim3A, %add3A_36 : vector<2048x1xf32>
    %reduce_sum3A_38 = arith.constant dense<0.000000e+00> : vector<2048xf32>
    %reduce_sum3A_39 = vector.multi_reduction <add>, %add3A, %reduce_sum3A_38 [1] : vector<2048x256xf32> to vector<2048xf32>
    %broadcast_in_dim3A_40 = vector.shape_cast %reduce_sum3A_39 : vector<2048xf32> to vector<2048x1xf32>
    %div3A = arith.constant 2.560000e+02 : f32
    %div3A_41 = vector.broadcast %div3A : f32 to vector<2048x1xf32>
    %div3A_42 = arith.divf %broadcast_in_dim3A_40, %div3A_41 : vector<2048x1xf32>
    %sub3A_43 = vector.broadcast %div3A_42 : vector<2048x1xf32> to vector<2048x256xf32>
    %sub3A_44 = arith.subf %add3A, %sub3A_43 : vector<2048x256xf32>
    %integer_pow3A = arith.mulf %sub3A_44, %sub3A_44 : vector<2048x256xf32>
    %reduce_sum3A_45 = arith.constant dense<0.000000e+00> : vector<2048xf32>
    %reduce_sum3A_46 = vector.multi_reduction <add>, %integer_pow3A, %reduce_sum3A_45 [1] : vector<2048x256xf32> to vector<2048xf32>
    %broadcast_in_dim3A_47 = vector.shape_cast %reduce_sum3A_46 : vector<2048xf32> to vector<2048x1xf32>
    %div3A_48 = arith.constant 2.560000e+02 : f32
    %div3A_49 = vector.broadcast %div3A_48 : f32 to vector<2048x1xf32>
    %div3A_50 = arith.divf %broadcast_in_dim3A_47, %div3A_49 : vector<2048x1xf32>
    %sub3A_51 = vector.broadcast %div3A_42 : vector<2048x1xf32> to vector<2048x256xf32>
    %sub3A_52 = arith.subf %add3A, %sub3A_51 : vector<2048x256xf32>
    %mul3A_53 = arith.mulf %add3A_37, %add3A_37 : vector<2048x1xf32>
    %mul3A_54 = arith.constant 9.99999974E-6 : f32
    %mul3A_55 = vector.broadcast %mul3A_54 : f32 to vector<2048x1xf32>
    %mul3A_56 = arith.mulf %mul3A_55, %mul3A_53 : vector<2048x1xf32>
    %add3A_57 = arith.addf %div3A_50, %mul3A_56 : vector<2048x1xf32>
    %rsqrt3A = math.rsqrt %add3A_57 : vector<2048x1xf32>
    %mul3A_58 = vector.broadcast %rsqrt3A : vector<2048x1xf32> to vector<2048x256xf32>
    %mul3A_59 = arith.mulf %sub3A_52, %mul3A_58 : vector<2048x256xf32>
    %convert_element_type3A_60 = arith.truncf %convert_element_type3A : vector<2048x64xf32> to vector<2048x64xbf16>
    %convert_element_type3A_61 = arith.truncf %get3A_23 : vector<64x5xf32> to vector<64x5xbf16>
    %dot_general3A_62 = arith.constant dense<0.000000e+00> : vector<2048x5xf32>
    %dot_general3A_63 = tpu.matmul %convert_element_type3A_60, %convert_element_type3A_61, %dot_general3A_62 {dimension_numbers = #tpu.dot_dimension_numbers<[1], [0], [0], [1], [0, 0, 1, 1], [], []>, transpose_lhs_hint = false} : vector<2048x64xbf16>, vector<64x5xbf16>, vector<2048x5xf32> -> vector<2048x5xf32>
    %iota3A = tpu.iota {dimensions = array<i32: 1>} : vector<5x100xi32>
    %jit3A = arith.constant 20 : i32
    %div3A_64 = vector.broadcast %jit3A : i32 to vector<5x100xi32>
    %div3A_65 = arith.divsi %iota3A, %div3A_64 : vector<5x100xi32>
    %sign3A = arith.constant 0 : i32
    %sign3A_66 = vector.broadcast %sign3A : i32 to vector<5x100xi32>
    %sign3A_67 = arith.cmpi sgt, %iota3A, %sign3A_66 : vector<5x100xi32>
    %sign3A_68 = arith.extui %sign3A_67 : vector<5x100xi1> to vector<5x100xi32>
    %sign3A_69 = arith.constant 0 : i32
    %sign3A_70 = vector.broadcast %sign3A_69 : i32 to vector<5x100xi32>
    %sign3A_71 = arith.cmpi slt, %iota3A, %sign3A_70 : vector<5x100xi32>
    %sign3A_72 = arith.extui %sign3A_71 : vector<5x100xi1> to vector<5x100xi32>
    %sign3A_73 = arith.subi %sign3A_68, %sign3A_72 : vector<5x100xi32>
    %sign3A_74 = arith.constant 0 : i32
    %sign3A_75 = arith.cmpi sgt, %jit3A, %sign3A_74 : i32
    %sign3A_76 = arith.extui %sign3A_75 : i1 to i32
    %sign3A_77 = arith.constant 0 : i32
    %sign3A_78 = arith.cmpi slt, %jit3A, %sign3A_77 : i32
    %sign3A_79 = arith.extui %sign3A_78 : i1 to i32
    %sign3A_80 = arith.subi %sign3A_76, %sign3A_79 : i32
    %ne3A = vector.broadcast %sign3A_80 : i32 to vector<5x100xi32>
    %ne3A_81 = arith.cmpi ne, %sign3A_73, %ne3A : vector<5x100xi32>
    %rem3A = vector.broadcast %jit3A : i32 to vector<5x100xi32>
    %rem3A_82 = arith.remsi %iota3A, %rem3A : vector<5x100xi32>
    %ne3A_83 = arith.constant 0 : i32
    %ne3A_84 = vector.broadcast %ne3A_83 : i32 to vector<5x100xi32>
    %ne3A_85 = arith.cmpi ne, %rem3A_82, %ne3A_84 : vector<5x100xi32>
    %and3A = arith.andi %ne3A_81, %ne3A_85 : vector<5x100xi1>
    %sub3A_86 = arith.constant 1 : i32
    %sub3A_87 = vector.broadcast %sub3A_86 : i32 to vector<5x100xi32>
    %sub3A_88 = arith.subi %div3A_65, %sub3A_87 : vector<5x100xi32>
    %select_n3A = arith.select %and3A, %sub3A_88, %div3A_65 : vector<5x100xi1>, vector<5x100xi32>
    %iota3A_89 = tpu.iota {dimensions = array<i32: 0>} : vector<5x100xi32>
    %eq3A = arith.cmpi eq, %select_n3A, %iota3A_89 : vector<5x100xi32>
    %convert_element_type3A_90 = arith.extui %eq3A : vector<5x100xi1> to vector<5x100xi32>
    %convert_element_type3A_91 = arith.sitofp %convert_element_type3A_90 : vector<5x100xi32> to vector<5x100xf32>
    %convert_element_type3A_92 = arith.truncf %convert_element_type3A_91 : vector<5x100xf32> to vector<5x100xbf16>
    %convert_element_type3A_93 = arith.truncf %dot_general3A_63 : vector<2048x5xf32> to vector<2048x5xbf16>
    %dot_general3A_94 = arith.constant dense<0.000000e+00> : vector<2048x100xf32>
    %dot_general3A_95 = tpu.matmul %convert_element_type3A_93, %convert_element_type3A_92, %dot_general3A_94 {dimension_numbers = #tpu.dot_dimension_numbers<[1], [0], [0], [1], [0, 0, 1, 1], [], []>, transpose_lhs_hint = false} : vector<2048x5xbf16>, vector<5x100xbf16>, vector<2048x100xf32> -> vector<2048x100xf32>
    %iota3A_96 = tpu.iota {dimensions = array<i32: 1>} : vector<1x100xi32>
    %jit3A_97 = arith.constant 20 : i32
    %eq3A_98 = arith.constant 0 : i32
    %eq3A_99 = arith.cmpi eq, %jit3A_97, %eq3A_98 : i32
    %jit3A_100 = arith.constant 1 : i32
    %select_n3A_101 = arith.select %eq3A_99, %jit3A_100, %jit3A_97 : i32
    %rem3A_102 = vector.broadcast %select_n3A_101 : i32 to vector<1x100xi32>
    %rem3A_103 = arith.remsi %iota3A_96, %rem3A_102 : vector<1x100xi32>
    %ne3A_104 = arith.constant 0 : i32
    %ne3A_105 = vector.broadcast %ne3A_104 : i32 to vector<1x100xi32>
    %ne3A_106 = arith.cmpi ne, %rem3A_103, %ne3A_105 : vector<1x100xi32>
    %lt3A = arith.constant 0 : i32
    %lt3A_107 = vector.broadcast %lt3A : i32 to vector<1x100xi32>
    %lt3A_108 = arith.cmpi slt, %rem3A_103, %lt3A_107 : vector<1x100xi32>
    %lt3A_109 = arith.constant 0 : i32
    %lt3A_110 = arith.cmpi slt, %select_n3A_101, %lt3A_109 : i32
    %ne3A_111 = vector.broadcast %lt3A_110 : i1 to vector<1x100xi1>
    %ne3A_112 = vector.broadcast %ne3A_111 : vector<1x100xi1> to vector<1x100xi1>
    %ne3A_113 = arith.xori %lt3A_108, %ne3A_112 : vector<1x100xi1>
    %and3A_114 = arith.andi %ne3A_113, %ne3A_106 : vector<1x100xi1>
    %add3A_115 = vector.broadcast %select_n3A_101 : i32 to vector<1x100xi32>
    %add3A_116 = arith.addi %rem3A_103, %add3A_115 : vector<1x100xi32>
    %select_n3A_117 = arith.select %and3A_114, %add3A_116, %rem3A_103 : vector<1x100xi1>, vector<1x100xi32>
    %convert_element_type3A_118 = arith.sitofp %select_n3A_117 : vector<1x100xi32> to vector<1x100xf32>
    %le3A = vector.broadcast %convert_element_type3A_118 : vector<1x100xf32> to vector<2048x100xf32>
    %le3A_119 = arith.cmpf ole, %le3A, %dot_general3A_95 : vector<2048x100xf32>
    %convert_element_type3A_120 = arith.extui %le3A_119 : vector<2048x100xi1> to vector<2048x100xi32>
    %convert_element_type3A_121 = arith.sitofp %convert_element_type3A_120 : vector<2048x100xi32> to vector<2048x100xf32>
    %convert_element_type3A_122 = arith.truncf %convert_element_type3A_121 : vector<2048x100xf32> to vector<2048x100xbf16>
    %convert_element_type3A_123 = arith.truncf %mul3A_59 : vector<2048x256xf32> to vector<2048x256xbf16>
    %convert_element_type3A_124 = arith.extf %convert_element_type3A_123 : vector<2048x256xbf16> to vector<2048x256xf32>
    %sub3A_125 = arith.subf %mul3A_59, %convert_element_type3A_124 : vector<2048x256xf32>
    %convert_element_type3A_126 = arith.truncf %sub3A_125 : vector<2048x256xf32> to vector<2048x256xbf16>
    %get3A_127 = arith.constant 0 : index
    %get3A_128 = arith.constant 0 : index
    %get3A_129 = vector.load %arg6[%get3A_127, %get3A_128] : memref<256x256xbf16, #tpu.memory_space<vmem>>, vector<256x256xbf16>
    %dot_general3A_130 = arith.constant dense<0.000000e+00> : vector<2048x256xf32>
    %dot_general3A_131 = tpu.matmul %convert_element_type3A_123, %get3A_129, %dot_general3A_130 {dimension_numbers = #tpu.dot_dimension_numbers<[1], [0], [0], [1], [0, 0, 1, 1], [], []>, transpose_lhs_hint = false} : vector<2048x256xbf16>, vector<256x256xbf16>, vector<2048x256xf32> -> vector<2048x256xf32>
    %get3A_132 = arith.constant 0 : index
    %get3A_133 = arith.constant 0 : index
    %get3A_134 = vector.load %arg7[%get3A_132, %get3A_133] : memref<256x256xbf16, #tpu.memory_space<vmem>>, vector<256x256xbf16>
    %dot_general3A_135 = arith.constant dense<0.000000e+00> : vector<2048x256xf32>
    %dot_general3A_136 = tpu.matmul %convert_element_type3A_123, %get3A_134, %dot_general3A_135 {dimension_numbers = #tpu.dot_dimension_numbers<[1], [0], [0], [1], [0, 0, 1, 1], [], []>, transpose_lhs_hint = false} : vector<2048x256xbf16>, vector<256x256xbf16>, vector<2048x256xf32> -> vector<2048x256xf32>
    %add3A_137 = arith.addf %dot_general3A_131, %dot_general3A_136 : vector<2048x256xf32>
    %get3A_138 = arith.constant 0 : index
    %get3A_139 = arith.constant 0 : index
    %get3A_140 = vector.load %arg6[%get3A_138, %get3A_139] : memref<256x256xbf16, #tpu.memory_space<vmem>>, vector<256x256xbf16>
    %dot_general3A_141 = arith.constant dense<0.000000e+00> : vector<2048x256xf32>
    %dot_general3A_142 = tpu.matmul %convert_element_type3A_126, %get3A_140, %dot_general3A_141 {dimension_numbers = #tpu.dot_dimension_numbers<[1], [0], [0], [1], [0, 0, 1, 1], [], []>, transpose_lhs_hint = false} : vector<2048x256xbf16>, vector<256x256xbf16>, vector<2048x256xf32> -> vector<2048x256xf32>
    %add3A_143 = arith.addf %add3A_137, %dot_general3A_142 : vector<2048x256xf32>
    %get3A_144 = arith.constant 0 : index
    %get3A_145 = arith.constant 0 : index
    %get3A_146 = vector.load %arg8[%get3A_144, %get3A_145] : memref<100x256xbf16, #tpu.memory_space<vmem>>, vector<100x256xbf16>
    %dot_general3A_147 = arith.constant dense<0.000000e+00> : vector<2048x256xf32>
    %dot_general3A_148 = tpu.matmul %convert_element_type3A_122, %get3A_146, %dot_general3A_147 {dimension_numbers = #tpu.dot_dimension_numbers<[1], [0], [0], [1], [0, 0, 1, 1], [], []>, transpose_lhs_hint = false} : vector<2048x100xbf16>, vector<100x256xbf16>, vector<2048x256xf32> -> vector<2048x256xf32>
    %add3A_149 = arith.addf %add3A_143, %dot_general3A_148 : vector<2048x256xf32>
    %get3A_150 = arith.constant 0 : index
    %get3A_151 = arith.constant 0 : index
    %get3A_152 = vector.load %arg9[%get3A_150, %get3A_151] : memref<100x256xbf16, #tpu.memory_space<vmem>>, vector<100x256xbf16>
    %dot_general3A_153 = arith.constant dense<0.000000e+00> : vector<2048x256xf32>
    %dot_general3A_154 = tpu.matmul %convert_element_type3A_122, %get3A_152, %dot_general3A_153 {dimension_numbers = #tpu.dot_dimension_numbers<[1], [0], [0], [1], [0, 0, 1, 1], [], []>, transpose_lhs_hint = false} : vector<2048x100xbf16>, vector<100x256xbf16>, vector<2048x256xf32> -> vector<2048x256xf32>
    %add3A_155 = arith.addf %add3A_149, %dot_general3A_154 : vector<2048x256xf32>
    %get3A_156 = arith.constant 0 : index
    %get3A_157 = arith.constant 0 : index
    %get3A_158 = vector.load %arg10[%get3A_156, %get3A_157] : memref<1x256xf32, #tpu.memory_space<vmem>>, vector<1x256xf32>
    %add3A_159 = vector.broadcast %get3A_158 : vector<1x256xf32> to vector<2048x256xf32>
    %add3A_160 = arith.addf %add3A_155, %add3A_159 : vector<2048x256xf32>
    %max3A = arith.constant 0.000000e+00 : f32
    %max3A_161 = vector.broadcast %max3A : f32 to vector<2048x256xf32>
    %max3A_162 = arith.maximumf %add3A_160, %max3A_161 : vector<2048x256xf32>
    %convert_element_type3A_163 = arith.truncf %max3A_162 : vector<2048x256xf32> to vector<2048x256xbf16>
    %get3A_164 = arith.constant 0 : index
    %get3A_165 = arith.constant 0 : index
    %get3A_166 = vector.load %arg11[%get3A_164, %get3A_165] : memref<256x256xbf16, #tpu.memory_space<vmem>>, vector<256x256xbf16>
    %dot_general3A_167 = arith.constant dense<0.000000e+00> : vector<2048x256xf32>
    %dot_general3A_168 = tpu.matmul %convert_element_type3A_163, %get3A_166, %dot_general3A_167 {dimension_numbers = #tpu.dot_dimension_numbers<[1], [0], [0], [1], [0, 0, 1, 1], [], []>, transpose_lhs_hint = false} : vector<2048x256xbf16>, vector<256x256xbf16>, vector<2048x256xf32> -> vector<2048x256xf32>
    %get3A_169 = arith.constant 0 : index
    %get3A_170 = arith.constant 0 : index
    %get3A_171 = vector.load %arg12[%get3A_169, %get3A_170] : memref<256x256xbf16, #tpu.memory_space<vmem>>, vector<256x256xbf16>
    %dot_general3A_172 = arith.constant dense<0.000000e+00> : vector<2048x256xf32>
    %dot_general3A_173 = tpu.matmul %convert_element_type3A_163, %get3A_171, %dot_general3A_172 {dimension_numbers = #tpu.dot_dimension_numbers<[1], [0], [0], [1], [0, 0, 1, 1], [], []>, transpose_lhs_hint = false} : vector<2048x256xbf16>, vector<256x256xbf16>, vector<2048x256xf32> -> vector<2048x256xf32>
    %add3A_174 = arith.addf %dot_general3A_168, %dot_general3A_173 : vector<2048x256xf32>
    %get3A_175 = arith.constant 0 : index
    %get3A_176 = arith.constant 0 : index
    %get3A_177 = vector.load %arg13[%get3A_175, %get3A_176] : memref<1x256xf32, #tpu.memory_space<vmem>>, vector<1x256xf32>
    %add3A_178 = vector.broadcast %get3A_177 : vector<1x256xf32> to vector<2048x256xf32>
    %add3A_179 = arith.addf %add3A_174, %add3A_178 : vector<2048x256xf32>
    %max3A_180 = arith.constant 0.000000e+00 : f32
    %max3A_181 = vector.broadcast %max3A_180 : f32 to vector<2048x256xf32>
    %max3A_182 = arith.maximumf %add3A_179, %max3A_181 : vector<2048x256xf32>
    %convert_element_type3A_183 = arith.truncf %max3A_182 : vector<2048x256xf32> to vector<2048x256xbf16>
    %get3A_184 = arith.constant 0 : index
    %get3A_185 = arith.constant 0 : index
    %get3A_186 = vector.load %arg14[%get3A_184, %get3A_185] : memref<256x256xbf16, #tpu.memory_space<vmem>>, vector<256x256xbf16>
    %dot_general3A_187 = arith.constant dense<0.000000e+00> : vector<2048x256xf32>
    %dot_general3A_188 = tpu.matmul %convert_element_type3A_183, %get3A_186, %dot_general3A_187 {dimension_numbers = #tpu.dot_dimension_numbers<[1], [0], [0], [1], [0, 0, 1, 1], [], []>, transpose_lhs_hint = false} : vector<2048x256xbf16>, vector<256x256xbf16>, vector<2048x256xf32> -> vector<2048x256xf32>
    %get3A_189 = arith.constant 0 : index
    %get3A_190 = arith.constant 0 : index
    %get3A_191 = vector.load %arg15[%get3A_189, %get3A_190] : memref<256x256xbf16, #tpu.memory_space<vmem>>, vector<256x256xbf16>
    %dot_general3A_192 = arith.constant dense<0.000000e+00> : vector<2048x256xf32>
    %dot_general3A_193 = tpu.matmul %convert_element_type3A_183, %get3A_191, %dot_general3A_192 {dimension_numbers = #tpu.dot_dimension_numbers<[1], [0], [0], [1], [0, 0, 1, 1], [], []>, transpose_lhs_hint = false} : vector<2048x256xbf16>, vector<256x256xbf16>, vector<2048x256xf32> -> vector<2048x256xf32>
    %add3A_194 = arith.addf %dot_general3A_188, %dot_general3A_193 : vector<2048x256xf32>
    %get3A_195 = arith.constant 0 : index
    %get3A_196 = arith.constant 0 : index
    %get3A_197 = vector.load %arg16[%get3A_195, %get3A_196] : memref<1x256xf32, #tpu.memory_space<vmem>>, vector<1x256xf32>
    %add3A_198 = vector.broadcast %get3A_197 : vector<1x256xf32> to vector<2048x256xf32>
    %add3A_199 = arith.addf %add3A_194, %add3A_198 : vector<2048x256xf32>
    %max3A_200 = arith.constant 0.000000e+00 : f32
    %max3A_201 = vector.broadcast %max3A_200 : f32 to vector<2048x256xf32>
    %max3A_202 = arith.maximumf %add3A_199, %max3A_201 : vector<2048x256xf32>
    %reduce_sum3A_203 = arith.constant dense<0.000000e+00> : vector<2048xf32>
    %reduce_sum3A_204 = vector.multi_reduction <add>, %max3A_202, %reduce_sum3A_203 [1] : vector<2048x256xf32> to vector<2048xf32>
    %broadcast_in_dim3A_205 = vector.shape_cast %reduce_sum3A_204 : vector<2048xf32> to vector<2048x1xf32>
    %div3A_206 = arith.constant 2.560000e+02 : f32
    %div3A_207 = vector.broadcast %div3A_206 : f32 to vector<2048x1xf32>
    %div3A_208 = arith.divf %broadcast_in_dim3A_205, %div3A_207 : vector<2048x1xf32>
    %sub3A_209 = vector.broadcast %div3A_208 : vector<2048x1xf32> to vector<2048x256xf32>
    %sub3A_210 = arith.subf %max3A_202, %sub3A_209 : vector<2048x256xf32>
    %integer_pow3A_211 = arith.mulf %sub3A_210, %sub3A_210 : vector<2048x256xf32>
    %reduce_sum3A_212 = arith.constant dense<0.000000e+00> : vector<2048xf32>
    %reduce_sum3A_213 = vector.multi_reduction <add>, %integer_pow3A_211, %reduce_sum3A_212 [1] : vector<2048x256xf32> to vector<2048xf32>
    %broadcast_in_dim3A_214 = vector.shape_cast %reduce_sum3A_213 : vector<2048xf32> to vector<2048x1xf32>
    %div3A_215 = arith.constant 2.560000e+02 : f32
    %div3A_216 = vector.broadcast %div3A_215 : f32 to vector<2048x1xf32>
    %div3A_217 = arith.divf %broadcast_in_dim3A_214, %div3A_216 : vector<2048x1xf32>
    %sub3A_218 = vector.broadcast %div3A_208 : vector<2048x1xf32> to vector<2048x256xf32>
    %sub3A_219 = arith.subf %max3A_202, %sub3A_218 : vector<2048x256xf32>
    %add3A_220 = arith.constant 9.99999974E-6 : f32
    %add3A_221 = vector.broadcast %add3A_220 : f32 to vector<2048x1xf32>
    %add3A_222 = arith.addf %div3A_217, %add3A_221 : vector<2048x1xf32>
    %rsqrt3A_223 = math.rsqrt %add3A_222 : vector<2048x1xf32>
    %mul3A_224 = vector.broadcast %rsqrt3A_223 : vector<2048x1xf32> to vector<2048x256xf32>
    %mul3A_225 = arith.mulf %sub3A_219, %mul3A_224 : vector<2048x256xf32>
    %convert_element_type3A_226 = arith.truncf %mul3A_225 : vector<2048x256xf32> to vector<2048x256xbf16>
    %get3A_227 = arith.constant 0 : index
    %get3A_228 = arith.constant 0 : index
    %get3A_229 = vector.load %arg17[%get3A_227, %get3A_228] : memref<256x1xbf16, #tpu.memory_space<vmem>>, vector<256x1xbf16>
    %dot_general3A_230 = arith.constant dense<0.000000e+00> : vector<2048x1xf32>
    %dot_general3A_231 = tpu.matmul %convert_element_type3A_226, %get3A_229, %dot_general3A_230 {dimension_numbers = #tpu.dot_dimension_numbers<[1], [0], [0], [1], [0, 0, 1, 1], [], []>, transpose_lhs_hint = false} : vector<2048x256xbf16>, vector<256x1xbf16>, vector<2048x1xf32> -> vector<2048x1xf32>
    %get3A_232 = arith.constant 0 : index
    %get3A_233 = arith.constant 0 : index
    %get3A_234 = vector.load %arg18[%get3A_232, %get3A_233] : memref<256x1xbf16, #tpu.memory_space<vmem>>, vector<256x1xbf16>
    %dot_general3A_235 = arith.constant dense<0.000000e+00> : vector<2048x1xf32>
    %dot_general3A_236 = tpu.matmul %convert_element_type3A_226, %get3A_234, %dot_general3A_235 {dimension_numbers = #tpu.dot_dimension_numbers<[1], [0], [0], [1], [0, 0, 1, 1], [], []>, transpose_lhs_hint = false} : vector<2048x256xbf16>, vector<256x1xbf16>, vector<2048x1xf32> -> vector<2048x1xf32>
    %add3A_237 = arith.addf %dot_general3A_231, %dot_general3A_236 : vector<2048x1xf32>
    %get3A_238 = arith.constant 0 : index
    %get3A_239 = arith.constant 0 : index
    %get3A_240 = vector.load %arg19[%get3A_238, %get3A_239] : memref<1x1xf32, #tpu.memory_space<vmem>>, vector<1x1xf32>
    %add3A_241 = vector.broadcast %get3A_240 : vector<1x1xf32> to vector<2048x1xf32>
    %add3A_242 = arith.addf %add3A_237, %add3A_241 : vector<2048x1xf32>
    %reduce_max3A = arith.constant dense<0xFF800000> : vector<1xf32>
    %reduce_max3A_243 = vector.multi_reduction <maximumf>, %add3A_242, %reduce_max3A [0] : vector<2048x1xf32> to vector<1xf32>
    %broadcast_in_dim3A_244 = vector.shape_cast %reduce_max3A_243 : vector<1xf32> to vector<1x1xf32>
    %sub3A_245 = vector.broadcast %broadcast_in_dim3A_244 : vector<1x1xf32> to vector<2048x1xf32>
    %sub3A_246 = arith.subf %add3A_242, %sub3A_245 : vector<2048x1xf32>
    %exp3A = math.exp %sub3A_246 : vector<2048x1xf32>
    %reduce_sum3A_247 = arith.constant dense<0.000000e+00> : vector<1xf32>
    %reduce_sum3A_248 = vector.multi_reduction <add>, %exp3A, %reduce_sum3A_247 [0] : vector<2048x1xf32> to vector<1xf32>
    %broadcast_in_dim3A_249 = vector.shape_cast %reduce_sum3A_248 : vector<1xf32> to vector<1x1xf32>
    %div3A_250 = vector.broadcast %broadcast_in_dim3A_249 : vector<1x1xf32> to vector<2048x1xf32>
    %div3A_251 = arith.divf %exp3A, %div3A_250 : vector<2048x1xf32>
    %swap3A = arith.constant 0 : index
    %swap3A_252 = arith.constant 0 : index
    %swap3A_253 = arith.constant 0 : index
    %swap3A_254 = vector.load %arg20[%swap3A, %swap3A_252, %swap3A_253] : memref<4x2048x1xf32, #tpu.memory_space<vmem>>, vector<1x2048x1xf32>
    %swap3A_255 = vector.shape_cast %swap3A_254 : vector<1x2048x1xf32> to vector<2048x1xf32>
    %swap3A_256 = vector.shape_cast %div3A_251 : vector<2048x1xf32> to vector<1x2048x1xf32>
    tpu.vector_store %arg20[%swap3A, %swap3A_252, %swap3A_253], %swap3A_256 {strides = array<i32>} : memref<4x2048x1xf32, #tpu.memory_space<vmem>>, vector<1x2048x1xf32>,
    %get3A_257 = arith.constant 1 : index
    %get3A_258 = arith.constant 0 : index
    %get3A_259 = arith.constant 0 : index
    %get3A_260 = vector.load %arg1[%get3A_257, %get3A_258, %get3A_259] : memref<4x2048x64xi32, #tpu.memory_space<vmem>>, vector<1x2048x64xi32>
    %get3A_261 = vector.shape_cast %get3A_260 : vector<1x2048x64xi32> to vector<2048x64xi32>
    %convert_element_type3A_262 = arith.sitofp %get3A_261 : vector<2048x64xi32> to vector<2048x64xf32>
    %get3A_263 = arith.constant 1 : index
    %get3A_264 = arith.constant 0 : index
    %get3A_265 = arith.constant 0 : index
    %get3A_266 = vector.load %arg2[%get3A_263, %get3A_264, %get3A_265] : memref<4x64x256xf32, #tpu.memory_space<vmem>>, vector<1x64x256xf32>
    %get3A_267 = vector.shape_cast %get3A_266 : vector<1x64x256xf32> to vector<64x256xf32>
    %get3A_268 = arith.constant 1 : index
    %get3A_269 = arith.constant 0 : index
    %get3A_270 = arith.constant 0 : index
    %get3A_271 = vector.load %arg3[%get3A_268, %get3A_269, %get3A_270] : memref<4x1x64xf32, #tpu.memory_space<vmem>>, vector<1x1x64xf32>
    %get3A_272 = vector.shape_cast %get3A_271 : vector<1x1x64xf32> to vector<1x64xf32>
    %get3A_273 = arith.constant 1 : index
    %get3A_274 = arith.constant 0 : index
    %get3A_275 = arith.constant 0 : index
    %get3A_276 = vector.load %arg4[%get3A_273, %get3A_274, %get3A_275] : memref<4x64x1xf32, #tpu.memory_space<vmem>>, vector<1x64x1xf32>
    %get3A_277 = vector.shape_cast %get3A_276 : vector<1x64x1xf32> to vector<64x1xf32>
    %get3A_278 = arith.constant 1 : index
    %get3A_279 = arith.constant 0 : index
    %get3A_280 = arith.constant 0 : index
    %get3A_281 = vector.load %arg5[%get3A_278, %get3A_279, %get3A_280] : memref<4x64x5xf32, #tpu.memory_space<vmem>>, vector<1x64x5xf32>
    %get3A_282 = vector.shape_cast %get3A_281 : vector<1x64x5xf32> to vector<64x5xf32>
    %mul3A_283 = vector.broadcast %get3A_277 : vector<64x1xf32> to vector<64x256xf32>
    %mul3A_284 = arith.mulf %get3A_267, %mul3A_283 : vector<64x256xf32>
    %mul3A_285 = vector.broadcast %get3A_272 : vector<1x64xf32> to vector<2048x64xf32>
    %mul3A_286 = arith.mulf %convert_element_type3A_262, %mul3A_285 : vector<2048x64xf32>
    %convert_element_type3A_287 = arith.truncf %mul3A_286 : vector<2048x64xf32> to vector<2048x64xbf16>
    %convert_element_type3A_288 = arith.truncf %mul3A_284 : vector<64x256xf32> to vector<64x256xbf16>
    %convert_element_type3A_289 = arith.extf %convert_element_type3A_288 : vector<64x256xbf16> to vector<64x256xf32>
    %sub3A_290 = arith.subf %mul3A_284, %convert_element_type3A_289 : vector<64x256xf32>
    %convert_element_type3A_291 = arith.truncf %sub3A_290 : vector<64x256xf32> to vector<64x256xbf16>
    %dot_general3A_292 = arith.constant dense<0.000000e+00> : vector<2048x256xf32>
    %dot_general3A_293 = tpu.matmul %convert_element_type3A_287, %convert_element_type3A_288, %dot_general3A_292 {dimension_numbers = #tpu.dot_dimension_numbers<[1], [0], [0], [1], [0, 0, 1, 1], [], []>, transpose_lhs_hint = false} : vector<2048x64xbf16>, vector<64x256xbf16>, vector<2048x256xf32> -> vector<2048x256xf32>
    %dot_general3A_294 = arith.constant dense<0.000000e+00> : vector<2048x256xf32>
    %dot_general3A_295 = tpu.matmul %convert_element_type3A_287, %convert_element_type3A_291, %dot_general3A_294 {dimension_numbers = #tpu.dot_dimension_numbers<[1], [0], [0], [1], [0, 0, 1, 1], [], []>, transpose_lhs_hint = false} : vector<2048x64xbf16>, vector<64x256xbf16>, vector<2048x256xf32> -> vector<2048x256xf32>
    %add3A_296 = arith.addf %dot_general3A_293, %dot_general3A_295 : vector<2048x256xf32>
    %reduce_sum3A_297 = arith.constant dense<0.000000e+00> : vector<2048xf32>
    %reduce_sum3A_298 = vector.multi_reduction <add>, %mul3A_286, %reduce_sum3A_297 [1] : vector<2048x64xf32> to vector<2048xf32>
    %broadcast_in_dim3A_299 = vector.shape_cast %reduce_sum3A_298 : vector<2048xf32> to vector<2048x1xf32>
    %add3A_300 = arith.constant 9.99999974E-5 : f32
    %add3A_301 = vector.broadcast %add3A_300 : f32 to vector<2048x1xf32>
    %add3A_302 = arith.addf %broadcast_in_dim3A_299, %add3A_301 : vector<2048x1xf32>
    %reduce_sum3A_303 = arith.constant dense<0.000000e+00> : vector<2048xf32>
    %reduce_sum3A_304 = vector.multi_reduction <add>, %add3A_296, %reduce_sum3A_303 [1] : vector<2048x256xf32> to vector<2048xf32>
    %broadcast_in_dim3A_305 = vector.shape_cast %reduce_sum3A_304 : vector<2048xf32> to vector<2048x1xf32>
    %div3A_306 = arith.constant 2.560000e+02 : f32
    %div3A_307 = vector.broadcast %div3A_306 : f32 to vector<2048x1xf32>
    %div3A_308 = arith.divf %broadcast_in_dim3A_305, %div3A_307 : vector<2048x1xf32>
    %sub3A_309 = vector.broadcast %div3A_308 : vector<2048x1xf32> to vector<2048x256xf32>
    %sub3A_310 = arith.subf %add3A_296, %sub3A_309 : vector<2048x256xf32>
    %integer_pow3A_311 = arith.mulf %sub3A_310, %sub3A_310 : vector<2048x256xf32>
    %reduce_sum3A_312 = arith.constant dense<0.000000e+00> : vector<2048xf32>
    %reduce_sum3A_313 = vector.multi_reduction <add>, %integer_pow3A_311, %reduce_sum3A_312 [1] : vector<2048x256xf32> to vector<2048xf32>
    %broadcast_in_dim3A_314 = vector.shape_cast %reduce_sum3A_313 : vector<2048xf32> to vector<2048x1xf32>
    %div3A_315 = arith.constant 2.560000e+02 : f32
    %div3A_316 = vector.broadcast %div3A_315 : f32 to vector<2048x1xf32>
    %div3A_317 = arith.divf %broadcast_in_dim3A_314, %div3A_316 : vector<2048x1xf32>
    %sub3A_318 = vector.broadcast %div3A_308 : vector<2048x1xf32> to vector<2048x256xf32>
    %sub3A_319 = arith.subf %add3A_296, %sub3A_318 : vector<2048x256xf32>
    %mul3A_320 = arith.mulf %add3A_302, %add3A_302 : vector<2048x1xf32>
    %mul3A_321 = arith.constant 9.99999974E-6 : f32
    %mul3A_322 = vector.broadcast %mul3A_321 : f32 to vector<2048x1xf32>
    %mul3A_323 = arith.mulf %mul3A_322, %mul3A_320 : vector<2048x1xf32>
    %add3A_324 = arith.addf %div3A_317, %mul3A_323 : vector<2048x1xf32>
    %rsqrt3A_325 = math.rsqrt %add3A_324 : vector<2048x1xf32>
    %mul3A_326 = vector.broadcast %rsqrt3A_325 : vector<2048x1xf32> to vector<2048x256xf32>
    %mul3A_327 = arith.mulf %sub3A_319, %mul3A_326 : vector<2048x256xf32>
    %convert_element_type3A_328 = arith.truncf %convert_element_type3A_262 : vector<2048x64xf32> to vector<2048x64xbf16>
    %convert_element_type3A_329 = arith.truncf %get3A_282 : vector<64x5xf32> to vector<64x5xbf16>
    %dot_general3A_330 = arith.constant dense<0.000000e+00> : vector<2048x5xf32>
    %dot_general3A_331 = tpu.matmul %convert_element_type3A_328, %convert_element_type3A_329, %dot_general3A_330 {dimension_numbers = #tpu.dot_dimension_numbers<[1], [0], [0], [1], [0, 0, 1, 1], [], []>, transpose_lhs_hint = false} : vector<2048x64xbf16>, vector<64x5xbf16>, vector<2048x5xf32> -> vector<2048x5xf32>
    %iota3A_332 = tpu.iota {dimensions = array<i32: 1>} : vector<5x100xi32>
    %jit3A_333 = arith.constant 20 : i32
    %div3A_334 = vector.broadcast %jit3A_333 : i32 to vector<5x100xi32>
    %div3A_335 = arith.divsi %iota3A_332, %div3A_334 : vector<5x100xi32>
    %sign3A_336 = arith.constant 0 : i32
    %sign3A_337 = vector.broadcast %sign3A_336 : i32 to vector<5x100xi32>
    %sign3A_338 = arith.cmpi sgt, %iota3A_332, %sign3A_337 : vector<5x100xi32>
    %sign3A_339 = arith.extui %sign3A_338 : vector<5x100xi1> to vector<5x100xi32>
    %sign3A_340 = arith.constant 0 : i32
    %sign3A_341 = vector.broadcast %sign3A_340 : i32 to vector<5x100xi32>
    %sign3A_342 = arith.cmpi slt, %iota3A_332, %sign3A_341 : vector<5x100xi32>
    %sign3A_343 = arith.extui %sign3A_342 : vector<5x100xi1> to vector<5x100xi32>
    %sign3A_344 = arith.subi %sign3A_339, %sign3A_343 : vector<5x100xi32>
    %sign3A_345 = arith.constant 0 : i32
    %sign3A_346 = arith.cmpi sgt, %jit3A_333, %sign3A_345 : i32
    %sign3A_347 = arith.extui %sign3A_346 : i1 to i32
    %sign3A_348 = arith.constant 0 : i32
    %sign3A_349 = arith.cmpi slt, %jit3A_333, %sign3A_348 : i32
    %sign3A_350 = arith.extui %sign3A_349 : i1 to i32
    %sign3A_351 = arith.subi %sign3A_347, %sign3A_350 : i32
    %ne3A_352 = vector.broadcast %sign3A_351 : i32 to vector<5x100xi32>
    %ne3A_353 = arith.cmpi ne, %sign3A_344, %ne3A_352 : vector<5x100xi32>
    %rem3A_354 = vector.broadcast %jit3A_333 : i32 to vector<5x100xi32>
    %rem3A_355 = arith.remsi %iota3A_332, %rem3A_354 : vector<5x100xi32>
    %ne3A_356 = arith.constant 0 : i32
    %ne3A_357 = vector.broadcast %ne3A_356 : i32 to vector<5x100xi32>
    %ne3A_358 = arith.cmpi ne, %rem3A_355, %ne3A_357 : vector<5x100xi32>
    %and3A_359 = arith.andi %ne3A_353, %ne3A_358 : vector<5x100xi1>
    %sub3A_360 = arith.constant 1 : i32
    %sub3A_361 = vector.broadcast %sub3A_360 : i32 to vector<5x100xi32>
    %sub3A_362 = arith.subi %div3A_335, %sub3A_361 : vector<5x100xi32>
    %select_n3A_363 = arith.select %and3A_359, %sub3A_362, %div3A_335 : vector<5x100xi1>, vector<5x100xi32>
    %iota3A_364 = tpu.iota {dimensions = array<i32: 0>} : vector<5x100xi32>
    %eq3A_365 = arith.cmpi eq, %select_n3A_363, %iota3A_364 : vector<5x100xi32>
    %convert_element_type3A_366 = arith.extui %eq3A_365 : vector<5x100xi1> to vector<5x100xi32>
    %convert_element_type3A_367 = arith.sitofp %convert_element_type3A_366 : vector<5x100xi32> to vector<5x100xf32>
    %convert_element_type3A_368 = arith.truncf %convert_element_type3A_367 : vector<5x100xf32> to vector<5x100xbf16>
    %convert_element_type3A_369 = arith.truncf %dot_general3A_331 : vector<2048x5xf32> to vector<2048x5xbf16>
    %dot_general3A_370 = arith.constant dense<0.000000e+00> : vector<2048x100xf32>
    %dot_general3A_371 = tpu.matmul %convert_element_type3A_369, %convert_element_type3A_368, %dot_general3A_370 {dimension_numbers = #tpu.dot_dimension_numbers<[1], [0], [0], [1], [0, 0, 1, 1], [], []>, transpose_lhs_hint = false} : vector<2048x5xbf16>, vector<5x100xbf16>, vector<2048x100xf32> -> vector<2048x100xf32>
    %iota3A_372 = tpu.iota {dimensions = array<i32: 1>} : vector<1x100xi32>
    %jit3A_373 = arith.constant 20 : i32
    %eq3A_374 = arith.constant 0 : i32
    %eq3A_375 = arith.cmpi eq, %jit3A_373, %eq3A_374 : i32
    %jit3A_376 = arith.constant 1 : i32
    %select_n3A_377 = arith.select %eq3A_375, %jit3A_376, %jit3A_373 : i32
    %rem3A_378 = vector.broadcast %select_n3A_377 : i32 to vector<1x100xi32>
    %rem3A_379 = arith.remsi %iota3A_372, %rem3A_378 : vector<1x100xi32>
    %ne3A_380 = arith.constant 0 : i32
    %ne3A_381 = vector.broadcast %ne3A_380 : i32 to vector<1x100xi32>
    %ne3A_382 = arith.cmpi ne, %rem3A_379, %ne3A_381 : vector<1x100xi32>
    %lt3A_383 = arith.constant 0 : i32
    %lt3A_384 = vector.broadcast %lt3A_383 : i32 to vector<1x100xi32>
    %lt3A_385 = arith.cmpi slt, %rem3A_379, %lt3A_384 : vector<1x100xi32>
    %lt3A_386 = arith.constant 0 : i32
    %lt3A_387 = arith.cmpi slt, %select_n3A_377, %lt3A_386 : i32
    %ne3A_388 = vector.broadcast %lt3A_387 : i1 to vector<1x100xi1>
    %ne3A_389 = vector.broadcast %ne3A_388 : vector<1x100xi1> to vector<1x100xi1>
    %ne3A_390 = arith.xori %lt3A_385, %ne3A_389 : vector<1x100xi1>
    %and3A_391 = arith.andi %ne3A_390, %ne3A_382 : vector<1x100xi1>
    %add3A_392 = vector.broadcast %select_n3A_377 : i32 to vector<1x100xi32>
    %add3A_393 = arith.addi %rem3A_379, %add3A_392 : vector<1x100xi32>
    %select_n3A_394 = arith.select %and3A_391, %add3A_393, %rem3A_379 : vector<1x100xi1>, vector<1x100xi32>
    %convert_element_type3A_395 = arith.sitofp %select_n3A_394 : vector<1x100xi32> to vector<1x100xf32>
    %le3A_396 = vector.broadcast %convert_element_type3A_395 : vector<1x100xf32> to vector<2048x100xf32>
    %le3A_397 = arith.cmpf ole, %le3A_396, %dot_general3A_371 : vector<2048x100xf32>
    %convert_element_type3A_398 = arith.extui %le3A_397 : vector<2048x100xi1> to vector<2048x100xi32>
    %convert_element_type3A_399 = arith.sitofp %convert_element_type3A_398 : vector<2048x100xi32> to vector<2048x100xf32>
    %convert_element_type3A_400 = arith.truncf %convert_element_type3A_399 : vector<2048x100xf32> to vector<2048x100xbf16>
    %convert_element_type3A_401 = arith.truncf %mul3A_327 : vector<2048x256xf32> to vector<2048x256xbf16>
    %convert_element_type3A_402 = arith.extf %convert_element_type3A_401 : vector<2048x256xbf16> to vector<2048x256xf32>
    %sub3A_403 = arith.subf %mul3A_327, %convert_element_type3A_402 : vector<2048x256xf32>
    %convert_element_type3A_404 = arith.truncf %sub3A_403 : vector<2048x256xf32> to vector<2048x256xbf16>
    %get3A_405 = arith.constant 0 : index
    %get3A_406 = arith.constant 0 : index
    %get3A_407 = vector.load %arg6[%get3A_405, %get3A_406] : memref<256x256xbf16, #tpu.memory_space<vmem>>, vector<256x256xbf16>
    %dot_general3A_408 = arith.constant dense<0.000000e+00> : vector<2048x256xf32>
    %dot_general3A_409 = tpu.matmul %convert_element_type3A_401, %get3A_407, %dot_general3A_408 {dimension_numbers = #tpu.dot_dimension_numbers<[1], [0], [0], [1], [0, 0, 1, 1], [], []>, transpose_lhs_hint = false} : vector<2048x256xbf16>, vector<256x256xbf16>, vector<2048x256xf32> -> vector<2048x256xf32>
    %get3A_410 = arith.constant 0 : index
    %get3A_411 = arith.constant 0 : index
    %get3A_412 = vector.load %arg7[%get3A_410, %get3A_411] : memref<256x256xbf16, #tpu.memory_space<vmem>>, vector<256x256xbf16>
    %dot_general3A_413 = arith.constant dense<0.000000e+00> : vector<2048x256xf32>
    %dot_general3A_414 = tpu.matmul %convert_element_type3A_401, %get3A_412, %dot_general3A_413 {dimension_numbers = #tpu.dot_dimension_numbers<[1], [0], [0], [1], [0, 0, 1, 1], [], []>, transpose_lhs_hint = false} : vector<2048x256xbf16>, vector<256x256xbf16>, vector<2048x256xf32> -> vector<2048x256xf32>
    %add3A_415 = arith.addf %dot_general3A_409, %dot_general3A_414 : vector<2048x256xf32>
    %get3A_416 = arith.constant 0 : index
    %get3A_417 = arith.constant 0 : index
    %get3A_418 = vector.load %arg6[%get3A_416, %get3A_417] : memref<256x256xbf16, #tpu.memory_space<vmem>>, vector<256x256xbf16>
    %dot_general3A_419 = arith.constant dense<0.000000e+00> : vector<2048x256xf32>
    %dot_general3A_420 = tpu.matmul %convert_element_type3A_404, %get3A_418, %dot_general3A_419 {dimension_numbers = #tpu.dot_dimension_numbers<[1], [0], [0], [1], [0, 0, 1, 1], [], []>, transpose_lhs_hint = false} : vector<2048x256xbf16>, vector<256x256xbf16>, vector<2048x256xf32> -> vector<2048x256xf32>
    %add3A_421 = arith.addf %add3A_415, %dot_general3A_420 : vector<2048x256xf32>
    %get3A_422 = arith.constant 0 : index
    %get3A_423 = arith.constant 0 : index
    %get3A_424 = vector.load %arg8[%get3A_422, %get3A_423] : memref<100x256xbf16, #tpu.memory_space<vmem>>, vector<100x256xbf16>
    %dot_general3A_425 = arith.constant dense<0.000000e+00> : vector<2048x256xf32>
    %dot_general3A_426 = tpu.matmul %convert_element_type3A_400, %get3A_424, %dot_general3A_425 {dimension_numbers = #tpu.dot_dimension_numbers<[1], [0], [0], [1], [0, 0, 1, 1], [], []>, transpose_lhs_hint = false} : vector<2048x100xbf16>, vector<100x256xbf16>, vector<2048x256xf32> -> vector<2048x256xf32>
    %add3A_427 = arith.addf %add3A_421, %dot_general3A_426 : vector<2048x256xf32>
    %get3A_428 = arith.constant 0 : index
    %get3A_429 = arith.constant 0 : index
    %get3A_430 = vector.load %arg9[%get3A_428, %get3A_429] : memref<100x256xbf16, #tpu.memory_space<vmem>>, vector<100x256xbf16>
    %dot_general3A_431 = arith.constant dense<0.000000e+00> : vector<2048x256xf32>
    %dot_general3A_432 = tpu.matmul %convert_element_type3A_400, %get3A_430, %dot_general3A_431 {dimension_numbers = #tpu.dot_dimension_numbers<[1], [0], [0], [1], [0, 0, 1, 1], [], []>, transpose_lhs_hint = false} : vector<2048x100xbf16>, vector<100x256xbf16>, vector<2048x256xf32> -> vector<2048x256xf32>
    %add3A_433 = arith.addf %add3A_427, %dot_general3A_432 : vector<2048x256xf32>
    %get3A_434 = arith.constant 0 : index
    %get3A_435 = arith.constant 0 : index
    %get3A_436 = vector.load %arg10[%get3A_434, %get3A_435] : memref<1x256xf32, #tpu.memory_space<vmem>>, vector<1x256xf32>
    %add3A_437 = vector.broadcast %get3A_436 : vector<1x256xf32> to vector<2048x256xf32>
    %add3A_438 = arith.addf %add3A_433, %add3A_437 : vector<2048x256xf32>
    %max3A_439 = arith.constant 0.000000e+00 : f32
    %max3A_440 = vector.broadcast %max3A_439 : f32 to vector<2048x256xf32>
    %max3A_441 = arith.maximumf %add3A_438, %max3A_440 : vector<2048x256xf32>
    %convert_element_type3A_442 = arith.truncf %max3A_441 : vector<2048x256xf32> to vector<2048x256xbf16>
    %get3A_443 = arith.constant 0 : index
    %get3A_444 = arith.constant 0 : index
    %get3A_445 = vector.load %arg11[%get3A_443, %get3A_444] : memref<256x256xbf16, #tpu.memory_space<vmem>>, vector<256x256xbf16>
    %dot_general3A_446 = arith.constant dense<0.000000e+00> : vector<2048x256xf32>
    %dot_general3A_447 = tpu.matmul %convert_element_type3A_442, %get3A_445, %dot_general3A_446 {dimension_numbers = #tpu.dot_dimension_numbers<[1], [0], [0], [1], [0, 0, 1, 1], [], []>, transpose_lhs_hint = false} : vector<2048x256xbf16>, vector<256x256xbf16>, vector<2048x256xf32> -> vector<2048x256xf32>
    %get3A_448 = arith.constant 0 : index
    %get3A_449 = arith.constant 0 : index
    %get3A_450 = vector.load %arg12[%get3A_448, %get3A_449] : memref<256x256xbf16, #tpu.memory_space<vmem>>, vector<256x256xbf16>
    %dot_general3A_451 = arith.constant dense<0.000000e+00> : vector<2048x256xf32>
    %dot_general3A_452 = tpu.matmul %convert_element_type3A_442, %get3A_450, %dot_general3A_451 {dimension_numbers = #tpu.dot_dimension_numbers<[1], [0], [0], [1], [0, 0, 1, 1], [], []>, transpose_lhs_hint = false} : vector<2048x256xbf16>, vector<256x256xbf16>, vector<2048x256xf32> -> vector<2048x256xf32>
    %add3A_453 = arith.addf %dot_general3A_447, %dot_general3A_452 : vector<2048x256xf32>
    %get3A_454 = arith.constant 0 : index
    %get3A_455 = arith.constant 0 : index
    %get3A_456 = vector.load %arg13[%get3A_454, %get3A_455] : memref<1x256xf32, #tpu.memory_space<vmem>>, vector<1x256xf32>
    %add3A_457 = vector.broadcast %get3A_456 : vector<1x256xf32> to vector<2048x256xf32>
    %add3A_458 = arith.addf %add3A_453, %add3A_457 : vector<2048x256xf32>
    %max3A_459 = arith.constant 0.000000e+00 : f32
    %max3A_460 = vector.broadcast %max3A_459 : f32 to vector<2048x256xf32>
    %max3A_461 = arith.maximumf %add3A_458, %max3A_460 : vector<2048x256xf32>
    %convert_element_type3A_462 = arith.truncf %max3A_461 : vector<2048x256xf32> to vector<2048x256xbf16>
    %get3A_463 = arith.constant 0 : index
    %get3A_464 = arith.constant 0 : index
    %get3A_465 = vector.load %arg14[%get3A_463, %get3A_464] : memref<256x256xbf16, #tpu.memory_space<vmem>>, vector<256x256xbf16>
    %dot_general3A_466 = arith.constant dense<0.000000e+00> : vector<2048x256xf32>
    %dot_general3A_467 = tpu.matmul %convert_element_type3A_462, %get3A_465, %dot_general3A_466 {dimension_numbers = #tpu.dot_dimension_numbers<[1], [0], [0], [1], [0, 0, 1, 1], [], []>, transpose_lhs_hint = false} : vector<2048x256xbf16>, vector<256x256xbf16>, vector<2048x256xf32> -> vector<2048x256xf32>
    %get3A_468 = arith.constant 0 : index
    %get3A_469 = arith.constant 0 : index
    %get3A_470 = vector.load %arg15[%get3A_468, %get3A_469] : memref<256x256xbf16, #tpu.memory_space<vmem>>, vector<256x256xbf16>
    %dot_general3A_471 = arith.constant dense<0.000000e+00> : vector<2048x256xf32>
    %dot_general3A_472 = tpu.matmul %convert_element_type3A_462, %get3A_470, %dot_general3A_471 {dimension_numbers = #tpu.dot_dimension_numbers<[1], [0], [0], [1], [0, 0, 1, 1], [], []>, transpose_lhs_hint = false} : vector<2048x256xbf16>, vector<256x256xbf16>, vector<2048x256xf32> -> vector<2048x256xf32>
    %add3A_473 = arith.addf %dot_general3A_467, %dot_general3A_472 : vector<2048x256xf32>
    %get3A_474 = arith.constant 0 : index
    %get3A_475 = arith.constant 0 : index
    %get3A_476 = vector.load %arg16[%get3A_474, %get3A_475] : memref<1x256xf32, #tpu.memory_space<vmem>>, vector<1x256xf32>
    %add3A_477 = vector.broadcast %get3A_476 : vector<1x256xf32> to vector<2048x256xf32>
    %add3A_478 = arith.addf %add3A_473, %add3A_477 : vector<2048x256xf32>
    %max3A_479 = arith.constant 0.000000e+00 : f32
    %max3A_480 = vector.broadcast %max3A_479 : f32 to vector<2048x256xf32>
    %max3A_481 = arith.maximumf %add3A_478, %max3A_480 : vector<2048x256xf32>
    %reduce_sum3A_482 = arith.constant dense<0.000000e+00> : vector<2048xf32>
    %reduce_sum3A_483 = vector.multi_reduction <add>, %max3A_481, %reduce_sum3A_482 [1] : vector<2048x256xf32> to vector<2048xf32>
    %broadcast_in_dim3A_484 = vector.shape_cast %reduce_sum3A_483 : vector<2048xf32> to vector<2048x1xf32>
    %div3A_485 = arith.constant 2.560000e+02 : f32
    %div3A_486 = vector.broadcast %div3A_485 : f32 to vector<2048x1xf32>
    %div3A_487 = arith.divf %broadcast_in_dim3A_484, %div3A_486 : vector<2048x1xf32>
    %sub3A_488 = vector.broadcast %div3A_487 : vector<2048x1xf32> to vector<2048x256xf32>
    %sub3A_489 = arith.subf %max3A_481, %sub3A_488 : vector<2048x256xf32>
    %integer_pow3A_490 = arith.mulf %sub3A_489, %sub3A_489 : vector<2048x256xf32>
    %reduce_sum3A_491 = arith.constant dense<0.000000e+00> : vector<2048xf32>
    %reduce_sum3A_492 = vector.multi_reduction <add>, %integer_pow3A_490, %reduce_sum3A_491 [1] : vector<2048x256xf32> to vector<2048xf32>
    %broadcast_in_dim3A_493 = vector.shape_cast %reduce_sum3A_492 : vector<2048xf32> to vector<2048x1xf32>
    %div3A_494 = arith.constant 2.560000e+02 : f32
    %div3A_495 = vector.broadcast %div3A_494 : f32 to vector<2048x1xf32>
    %div3A_496 = arith.divf %broadcast_in_dim3A_493, %div3A_495 : vector<2048x1xf32>
    %sub3A_497 = vector.broadcast %div3A_487 : vector<2048x1xf32> to vector<2048x256xf32>
    %sub3A_498 = arith.subf %max3A_481, %sub3A_497 : vector<2048x256xf32>
    %add3A_499 = arith.constant 9.99999974E-6 : f32
    %add3A_500 = vector.broadcast %add3A_499 : f32 to vector<2048x1xf32>
    %add3A_501 = arith.addf %div3A_496, %add3A_500 : vector<2048x1xf32>
    %rsqrt3A_502 = math.rsqrt %add3A_501 : vector<2048x1xf32>
    %mul3A_503 = vector.broadcast %rsqrt3A_502 : vector<2048x1xf32> to vector<2048x256xf32>
    %mul3A_504 = arith.mulf %sub3A_498, %mul3A_503 : vector<2048x256xf32>
    %convert_element_type3A_505 = arith.truncf %mul3A_504 : vector<2048x256xf32> to vector<2048x256xbf16>
    %get3A_506 = arith.constant 0 : index
    %get3A_507 = arith.constant 0 : index
    %get3A_508 = vector.load %arg17[%get3A_506, %get3A_507] : memref<256x1xbf16, #tpu.memory_space<vmem>>, vector<256x1xbf16>
    %dot_general3A_509 = arith.constant dense<0.000000e+00> : vector<2048x1xf32>
    %dot_general3A_510 = tpu.matmul %convert_element_type3A_505, %get3A_508, %dot_general3A_509 {dimension_numbers = #tpu.dot_dimension_numbers<[1], [0], [0], [1], [0, 0, 1, 1], [], []>, transpose_lhs_hint = false} : vector<2048x256xbf16>, vector<256x1xbf16>, vector<2048x1xf32> -> vector<2048x1xf32>
    %get3A_511 = arith.constant 0 : index
    %get3A_512 = arith.constant 0 : index
    %get3A_513 = vector.load %arg18[%get3A_511, %get3A_512] : memref<256x1xbf16, #tpu.memory_space<vmem>>, vector<256x1xbf16>
    %dot_general3A_514 = arith.constant dense<0.000000e+00> : vector<2048x1xf32>
    %dot_general3A_515 = tpu.matmul %convert_element_type3A_505, %get3A_513, %dot_general3A_514 {dimension_numbers = #tpu.dot_dimension_numbers<[1], [0], [0], [1], [0, 0, 1, 1], [], []>, transpose_lhs_hint = false} : vector<2048x256xbf16>, vector<256x1xbf16>, vector<2048x1xf32> -> vector<2048x1xf32>
    %add3A_516 = arith.addf %dot_general3A_510, %dot_general3A_515 : vector<2048x1xf32>
    %get3A_517 = arith.constant 0 : index
    %get3A_518 = arith.constant 0 : index
    %get3A_519 = vector.load %arg19[%get3A_517, %get3A_518] : memref<1x1xf32, #tpu.memory_space<vmem>>, vector<1x1xf32>
    %add3A_520 = vector.broadcast %get3A_519 : vector<1x1xf32> to vector<2048x1xf32>
    %add3A_521 = arith.addf %add3A_516, %add3A_520 : vector<2048x1xf32>
    %reduce_max3A_522 = arith.constant dense<0xFF800000> : vector<1xf32>
    %reduce_max3A_523 = vector.multi_reduction <maximumf>, %add3A_521, %reduce_max3A_522 [0] : vector<2048x1xf32> to vector<1xf32>
    %broadcast_in_dim3A_524 = vector.shape_cast %reduce_max3A_523 : vector<1xf32> to vector<1x1xf32>
    %sub3A_525 = vector.broadcast %broadcast_in_dim3A_524 : vector<1x1xf32> to vector<2048x1xf32>
    %sub3A_526 = arith.subf %add3A_521, %sub3A_525 : vector<2048x1xf32>
    %exp3A_527 = math.exp %sub3A_526 : vector<2048x1xf32>
    %reduce_sum3A_528 = arith.constant dense<0.000000e+00> : vector<1xf32>
    %reduce_sum3A_529 = vector.multi_reduction <add>, %exp3A_527, %reduce_sum3A_528 [0] : vector<2048x1xf32> to vector<1xf32>
    %broadcast_in_dim3A_530 = vector.shape_cast %reduce_sum3A_529 : vector<1xf32> to vector<1x1xf32>
    %div3A_531 = vector.broadcast %broadcast_in_dim3A_530 : vector<1x1xf32> to vector<2048x1xf32>
    %div3A_532 = arith.divf %exp3A_527, %div3A_531 : vector<2048x1xf32>
    %swap3A_533 = arith.constant 1 : index
    %swap3A_534 = arith.constant 0 : index
    %swap3A_535 = arith.constant 0 : index
    %swap3A_536 = vector.load %arg20[%swap3A_533, %swap3A_534, %swap3A_535] : memref<4x2048x1xf32, #tpu.memory_space<vmem>>, vector<1x2048x1xf32>
    %swap3A_537 = vector.shape_cast %swap3A_536 : vector<1x2048x1xf32> to vector<2048x1xf32>
    %swap3A_538 = vector.shape_cast %div3A_532 : vector<2048x1xf32> to vector<1x2048x1xf32>
    tpu.vector_store %arg20[%swap3A_533, %swap3A_534, %swap3A_535], %swap3A_538 {strides = array<i32>} : memref<4x2048x1xf32, #tpu.memory_space<vmem>>, vector<1x2048x1xf32>,
    %get3A_539 = arith.constant 2 : index
    %get3A_540 = arith.constant 0 : index
    %get3A_541 = arith.constant 0 : index
    %get3A_542 = vector.load %arg1[%get3A_539, %get3A_540, %get3A_541] : memref<4x2048x64xi32, #tpu.memory_space<vmem>>, vector<1x2048x64xi32>
    %get3A_543 = vector.shape_cast %get3A_542 : vector<1x2048x64xi32> to vector<2048x64xi32>
    %convert_element_type3A_544 = arith.sitofp %get3A_543 : vector<2048x64xi32> to vector<2048x64xf32>
    %get3A_545 = arith.constant 2 : index
    %get3A_546 = arith.constant 0 : index
    %get3A_547 = arith.constant 0 : index
    %get3A_548 = vector.load %arg2[%get3A_545, %get3A_546, %get3A_547] : memref<4x64x256xf32, #tpu.memory_space<vmem>>, vector<1x64x256xf32>
    %get3A_549 = vector.shape_cast %get3A_548 : vector<1x64x256xf32> to vector<64x256xf32>
    %get3A_550 = arith.constant 2 : index
    %get3A_551 = arith.constant 0 : index
    %get3A_552 = arith.constant 0 : index
    %get3A_553 = vector.load %arg3[%get3A_550, %get3A_551, %get3A_552] : memref<4x1x64xf32, #tpu.memory_space<vmem>>, vector<1x1x64xf32>
    %get3A_554 = vector.shape_cast %get3A_553 : vector<1x1x64xf32> to vector<1x64xf32>
    %get3A_555 = arith.constant 2 : index
    %get3A_556 = arith.constant 0 : index
    %get3A_557 = arith.constant 0 : index
    %get3A_558 = vector.load %arg4[%get3A_555, %get3A_556, %get3A_557] : memref<4x64x1xf32, #tpu.memory_space<vmem>>, vector<1x64x1xf32>
    %get3A_559 = vector.shape_cast %get3A_558 : vector<1x64x1xf32> to vector<64x1xf32>
    %get3A_560 = arith.constant 2 : index
    %get3A_561 = arith.constant 0 : index
    %get3A_562 = arith.constant 0 : index
    %get3A_563 = vector.load %arg5[%get3A_560, %get3A_561, %get3A_562] : memref<4x64x5xf32, #tpu.memory_space<vmem>>, vector<1x64x5xf32>
    %get3A_564 = vector.shape_cast %get3A_563 : vector<1x64x5xf32> to vector<64x5xf32>
    %mul3A_565 = vector.broadcast %get3A_559 : vector<64x1xf32> to vector<64x256xf32>
    %mul3A_566 = arith.mulf %get3A_549, %mul3A_565 : vector<64x256xf32>
    %mul3A_567 = vector.broadcast %get3A_554 : vector<1x64xf32> to vector<2048x64xf32>
    %mul3A_568 = arith.mulf %convert_element_type3A_544, %mul3A_567 : vector<2048x64xf32>
    %convert_element_type3A_569 = arith.truncf %mul3A_568 : vector<2048x64xf32> to vector<2048x64xbf16>
    %convert_element_type3A_570 = arith.truncf %mul3A_566 : vector<64x256xf32> to vector<64x256xbf16>
    %convert_element_type3A_571 = arith.extf %convert_element_type3A_570 : vector<64x256xbf16> to vector<64x256xf32>
    %sub3A_572 = arith.subf %mul3A_566, %convert_element_type3A_571 : vector<64x256xf32>
    %convert_element_type3A_573 = arith.truncf %sub3A_572 : vector<64x256xf32> to vector<64x256xbf16>
    %dot_general3A_574 = arith.constant dense<0.000000e+00> : vector<2048x256xf32>
    %dot_general3A_575 = tpu.matmul %convert_element_type3A_569, %convert_element_type3A_570, %dot_general3A_574 {dimension_numbers = #tpu.dot_dimension_numbers<[1], [0], [0], [1], [0, 0, 1, 1], [], []>, transpose_lhs_hint = false} : vector<2048x64xbf16>, vector<64x256xbf16>, vector<2048x256xf32> -> vector<2048x256xf32>
    %dot_general3A_576 = arith.constant dense<0.000000e+00> : vector<2048x256xf32>
    %dot_general3A_577 = tpu.matmul %convert_element_type3A_569, %convert_element_type3A_573, %dot_general3A_576 {dimension_numbers = #tpu.dot_dimension_numbers<[1], [0], [0], [1], [0, 0, 1, 1], [], []>, transpose_lhs_hint = false} : vector<2048x64xbf16>, vector<64x256xbf16>, vector<2048x256xf32> -> vector<2048x256xf32>
    %add3A_578 = arith.addf %dot_general3A_575, %dot_general3A_577 : vector<2048x256xf32>
    %reduce_sum3A_579 = arith.constant dense<0.000000e+00> : vector<2048xf32>
    %reduce_sum3A_580 = vector.multi_reduction <add>, %mul3A_568, %reduce_sum3A_579 [1] : vector<2048x64xf32> to vector<2048xf32>
    %broadcast_in_dim3A_581 = vector.shape_cast %reduce_sum3A_580 : vector<2048xf32> to vector<2048x1xf32>
    %add3A_582 = arith.constant 9.99999974E-5 : f32
    %add3A_583 = vector.broadcast %add3A_582 : f32 to vector<2048x1xf32>
    %add3A_584 = arith.addf %broadcast_in_dim3A_581, %add3A_583 : vector<2048x1xf32>
    %reduce_sum3A_585 = arith.constant dense<0.000000e+00> : vector<2048xf32>
    %reduce_sum3A_586 = vector.multi_reduction <add>, %add3A_578, %reduce_sum3A_585 [1] : vector<2048x256xf32> to vector<2048xf32>
    %broadcast_in_dim3A_587 = vector.shape_cast %reduce_sum3A_586 : vector<2048xf32> to vector<2048x1xf32>
    %div3A_588 = arith.constant 2.560000e+02 : f32
    %div3A_589 = vector.broadcast %div3A_588 : f32 to vector<2048x1xf32>
    %div3A_590 = arith.divf %broadcast_in_dim3A_587, %div3A_589 : vector<2048x1xf32>
    %sub3A_591 = vector.broadcast %div3A_590 : vector<2048x1xf32> to vector<2048x256xf32>
    %sub3A_592 = arith.subf %add3A_578, %sub3A_591 : vector<2048x256xf32>
    %integer_pow3A_593 = arith.mulf %sub3A_592, %sub3A_592 : vector<2048x256xf32>
    %reduce_sum3A_594 = arith.constant dense<0.000000e+00> : vector<2048xf32>
    %reduce_sum3A_595 = vector.multi_reduction <add>, %integer_pow3A_593, %reduce_sum3A_594 [1] : vector<2048x256xf32> to vector<2048xf32>
    %broadcast_in_dim3A_596 = vector.shape_cast %reduce_sum3A_595 : vector<2048xf32> to vector<2048x1xf32>
    %div3A_597 = arith.constant 2.560000e+02 : f32
    %div3A_598 = vector.broadcast %div3A_597 : f32 to vector<2048x1xf32>
    %div3A_599 = arith.divf %broadcast_in_dim3A_596, %div3A_598 : vector<2048x1xf32>
    %sub3A_600 = vector.broadcast %div3A_590 : vector<2048x1xf32> to vector<2048x256xf32>
    %sub3A_601 = arith.subf %add3A_578, %sub3A_600 : vector<2048x256xf32>
    %mul3A_602 = arith.mulf %add3A_584, %add3A_584 : vector<2048x1xf32>
    %mul3A_603 = arith.constant 9.99999974E-6 : f32
    %mul3A_604 = vector.broadcast %mul3A_603 : f32 to vector<2048x1xf32>
    %mul3A_605 = arith.mulf %mul3A_604, %mul3A_602 : vector<2048x1xf32>
    %add3A_606 = arith.addf %div3A_599, %mul3A_605 : vector<2048x1xf32>
    %rsqrt3A_607 = math.rsqrt %add3A_606 : vector<2048x1xf32>
    %mul3A_608 = vector.broadcast %rsqrt3A_607 : vector<2048x1xf32> to vector<2048x256xf32>
    %mul3A_609 = arith.mulf %sub3A_601, %mul3A_608 : vector<2048x256xf32>
    %convert_element_type3A_610 = arith.truncf %convert_element_type3A_544 : vector<2048x64xf32> to vector<2048x64xbf16>
    %convert_element_type3A_611 = arith.truncf %get3A_564 : vector<64x5xf32> to vector<64x5xbf16>
    %dot_general3A_612 = arith.constant dense<0.000000e+00> : vector<2048x5xf32>
    %dot_general3A_613 = tpu.matmul %convert_element_type3A_610, %convert_element_type3A_611, %dot_general3A_612 {dimension_numbers = #tpu.dot_dimension_numbers<[1], [0], [0], [1], [0, 0, 1, 1], [], []>, transpose_lhs_hint = false} : vector<2048x64xbf16>, vector<64x5xbf16>, vector<2048x5xf32> -> vector<2048x5xf32>
    %iota3A_614 = tpu.iota {dimensions = array<i32: 1>} : vector<5x100xi32>
    %jit3A_615 = arith.constant 20 : i32
    %div3A_616 = vector.broadcast %jit3A_615 : i32 to vector<5x100xi32>
    %div3A_617 = arith.divsi %iota3A_614, %div3A_616 : vector<5x100xi32>
    %sign3A_618 = arith.constant 0 : i32
    %sign3A_619 = vector.broadcast %sign3A_618 : i32 to vector<5x100xi32>
    %sign3A_620 = arith.cmpi sgt, %iota3A_614, %sign3A_619 : vector<5x100xi32>
    %sign3A_621 = arith.extui %sign3A_620 : vector<5x100xi1> to vector<5x100xi32>
    %sign3A_622 = arith.constant 0 : i32
    %sign3A_623 = vector.broadcast %sign3A_622 : i32 to vector<5x100xi32>
    %sign3A_624 = arith.cmpi slt, %iota3A_614, %sign3A_623 : vector<5x100xi32>
    %sign3A_625 = arith.extui %sign3A_624 : vector<5x100xi1> to vector<5x100xi32>
    %sign3A_626 = arith.subi %sign3A_621, %sign3A_625 : vector<5x100xi32>
    %sign3A_627 = arith.constant 0 : i32
    %sign3A_628 = arith.cmpi sgt, %jit3A_615, %sign3A_627 : i32
    %sign3A_629 = arith.extui %sign3A_628 : i1 to i32
    %sign3A_630 = arith.constant 0 : i32
    %sign3A_631 = arith.cmpi slt, %jit3A_615, %sign3A_630 : i32
    %sign3A_632 = arith.extui %sign3A_631 : i1 to i32
    %sign3A_633 = arith.subi %sign3A_629, %sign3A_632 : i32
    %ne3A_634 = vector.broadcast %sign3A_633 : i32 to vector<5x100xi32>
    %ne3A_635 = arith.cmpi ne, %sign3A_626, %ne3A_634 : vector<5x100xi32>
    %rem3A_636 = vector.broadcast %jit3A_615 : i32 to vector<5x100xi32>
    %rem3A_637 = arith.remsi %iota3A_614, %rem3A_636 : vector<5x100xi32>
    %ne3A_638 = arith.constant 0 : i32
    %ne3A_639 = vector.broadcast %ne3A_638 : i32 to vector<5x100xi32>
    %ne3A_640 = arith.cmpi ne, %rem3A_637, %ne3A_639 : vector<5x100xi32>
    %and3A_641 = arith.andi %ne3A_635, %ne3A_640 : vector<5x100xi1>
    %sub3A_642 = arith.constant 1 : i32
    %sub3A_643 = vector.broadcast %sub3A_642 : i32 to vector<5x100xi32>
    %sub3A_644 = arith.subi %div3A_617, %sub3A_643 : vector<5x100xi32>
    %select_n3A_645 = arith.select %and3A_641, %sub3A_644, %div3A_617 : vector<5x100xi1>, vector<5x100xi32>
    %iota3A_646 = tpu.iota {dimensions = array<i32: 0>} : vector<5x100xi32>
    %eq3A_647 = arith.cmpi eq, %select_n3A_645, %iota3A_646 : vector<5x100xi32>
    %convert_element_type3A_648 = arith.extui %eq3A_647 : vector<5x100xi1> to vector<5x100xi32>
    %convert_element_type3A_649 = arith.sitofp %convert_element_type3A_648 : vector<5x100xi32> to vector<5x100xf32>
    %convert_element_type3A_650 = arith.truncf %convert_element_type3A_649 : vector<5x100xf32> to vector<5x100xbf16>
    %convert_element_type3A_651 = arith.truncf %dot_general3A_613 : vector<2048x5xf32> to vector<2048x5xbf16>
    %dot_general3A_652 = arith.constant dense<0.000000e+00> : vector<2048x100xf32>
    %dot_general3A_653 = tpu.matmul %convert_element_type3A_651, %convert_element_type3A_650, %dot_general3A_652 {dimension_numbers = #tpu.dot_dimension_numbers<[1], [0], [0], [1], [0, 0, 1, 1], [], []>, transpose_lhs_hint = false} : vector<2048x5xbf16>, vector<5x100xbf16>, vector<2048x100xf32> -> vector<2048x100xf32>
    %iota3A_654 = tpu.iota {dimensions = array<i32: 1>} : vector<1x100xi32>
    %jit3A_655 = arith.constant 20 : i32
    %eq3A_656 = arith.constant 0 : i32
    %eq3A_657 = arith.cmpi eq, %jit3A_655, %eq3A_656 : i32
    %jit3A_658 = arith.constant 1 : i32
    %select_n3A_659 = arith.select %eq3A_657, %jit3A_658, %jit3A_655 : i32
    %rem3A_660 = vector.broadcast %select_n3A_659 : i32 to vector<1x100xi32>
    %rem3A_661 = arith.remsi %iota3A_654, %rem3A_660 : vector<1x100xi32>
    %ne3A_662 = arith.constant 0 : i32
    %ne3A_663 = vector.broadcast %ne3A_662 : i32 to vector<1x100xi32>
    %ne3A_664 = arith.cmpi ne, %rem3A_661, %ne3A_663 : vector<1x100xi32>
    %lt3A_665 = arith.constant 0 : i32
    %lt3A_666 = vector.broadcast %lt3A_665 : i32 to vector<1x100xi32>
    %lt3A_667 = arith.cmpi slt, %rem3A_661, %lt3A_666 : vector<1x100xi32>
    %lt3A_668 = arith.constant 0 : i32
    %lt3A_669 = arith.cmpi slt, %select_n3A_659, %lt3A_668 : i32
    %ne3A_670 = vector.broadcast %lt3A_669 : i1 to vector<1x100xi1>
    %ne3A_671 = vector.broadcast %ne3A_670 : vector<1x100xi1> to vector<1x100xi1>
    %ne3A_672 = arith.xori %lt3A_667, %ne3A_671 : vector<1x100xi1>
    %and3A_673 = arith.andi %ne3A_672, %ne3A_664 : vector<1x100xi1>
    %add3A_674 = vector.broadcast %select_n3A_659 : i32 to vector<1x100xi32>
    %add3A_675 = arith.addi %rem3A_661, %add3A_674 : vector<1x100xi32>
    %select_n3A_676 = arith.select %and3A_673, %add3A_675, %rem3A_661 : vector<1x100xi1>, vector<1x100xi32>
    %convert_element_type3A_677 = arith.sitofp %select_n3A_676 : vector<1x100xi32> to vector<1x100xf32>
    %le3A_678 = vector.broadcast %convert_element_type3A_677 : vector<1x100xf32> to vector<2048x100xf32>
    %le3A_679 = arith.cmpf ole, %le3A_678, %dot_general3A_653 : vector<2048x100xf32>
    %convert_element_type3A_680 = arith.extui %le3A_679 : vector<2048x100xi1> to vector<2048x100xi32>
    %convert_element_type3A_681 = arith.sitofp %convert_element_type3A_680 : vector<2048x100xi32> to vector<2048x100xf32>
    %convert_element_type3A_682 = arith.truncf %convert_element_type3A_681 : vector<2048x100xf32> to vector<2048x100xbf16>
    %convert_element_type3A_683 = arith.truncf %mul3A_609 : vector<2048x256xf32> to vector<2048x256xbf16>
    %convert_element_type3A_684 = arith.extf %convert_element_type3A_683 : vector<2048x256xbf16> to vector<2048x256xf32>
    %sub3A_685 = arith.subf %mul3A_609, %convert_element_type3A_684 : vector<2048x256xf32>
    %convert_element_type3A_686 = arith.truncf %sub3A_685 : vector<2048x256xf32> to vector<2048x256xbf16>
    %get3A_687 = arith.constant 0 : index
    %get3A_688 = arith.constant 0 : index
    %get3A_689 = vector.load %arg6[%get3A_687, %get3A_688] : memref<256x256xbf16, #tpu.memory_space<vmem>>, vector<256x256xbf16>
    %dot_general3A_690 = arith.constant dense<0.000000e+00> : vector<2048x256xf32>
    %dot_general3A_691 = tpu.matmul %convert_element_type3A_683, %get3A_689, %dot_general3A_690 {dimension_numbers = #tpu.dot_dimension_numbers<[1], [0], [0], [1], [0, 0, 1, 1], [], []>, transpose_lhs_hint = false} : vector<2048x256xbf16>, vector<256x256xbf16>, vector<2048x256xf32> -> vector<2048x256xf32>
    %get3A_692 = arith.constant 0 : index
    %get3A_693 = arith.constant 0 : index
    %get3A_694 = vector.load %arg7[%get3A_692, %get3A_693] : memref<256x256xbf16, #tpu.memory_space<vmem>>, vector<256x256xbf16>
    %dot_general3A_695 = arith.constant dense<0.000000e+00> : vector<2048x256xf32>
    %dot_general3A_696 = tpu.matmul %convert_element_type3A_683, %get3A_694, %dot_general3A_695 {dimension_numbers = #tpu.dot_dimension_numbers<[1], [0], [0], [1], [0, 0, 1, 1], [], []>, transpose_lhs_hint = false} : vector<2048x256xbf16>, vector<256x256xbf16>, vector<2048x256xf32> -> vector<2048x256xf32>
    %add3A_697 = arith.addf %dot_general3A_691, %dot_general3A_696 : vector<2048x256xf32>
    %get3A_698 = arith.constant 0 : index
    %get3A_699 = arith.constant 0 : index
    %get3A_700 = vector.load %arg6[%get3A_698, %get3A_699] : memref<256x256xbf16, #tpu.memory_space<vmem>>, vector<256x256xbf16>
    %dot_general3A_701 = arith.constant dense<0.000000e+00> : vector<2048x256xf32>
    %dot_general3A_702 = tpu.matmul %convert_element_type3A_686, %get3A_700, %dot_general3A_701 {dimension_numbers = #tpu.dot_dimension_numbers<[1], [0], [0], [1], [0, 0, 1, 1], [], []>, transpose_lhs_hint = false} : vector<2048x256xbf16>, vector<256x256xbf16>, vector<2048x256xf32> -> vector<2048x256xf32>
    %add3A_703 = arith.addf %add3A_697, %dot_general3A_702 : vector<2048x256xf32>
    %get3A_704 = arith.constant 0 : index
    %get3A_705 = arith.constant 0 : index
    %get3A_706 = vector.load %arg8[%get3A_704, %get3A_705] : memref<100x256xbf16, #tpu.memory_space<vmem>>, vector<100x256xbf16>
    %dot_general3A_707 = arith.constant dense<0.000000e+00> : vector<2048x256xf32>
    %dot_general3A_708 = tpu.matmul %convert_element_type3A_682, %get3A_706, %dot_general3A_707 {dimension_numbers = #tpu.dot_dimension_numbers<[1], [0], [0], [1], [0, 0, 1, 1], [], []>, transpose_lhs_hint = false} : vector<2048x100xbf16>, vector<100x256xbf16>, vector<2048x256xf32> -> vector<2048x256xf32>
    %add3A_709 = arith.addf %add3A_703, %dot_general3A_708 : vector<2048x256xf32>
    %get3A_710 = arith.constant 0 : index
    %get3A_711 = arith.constant 0 : index
    %get3A_712 = vector.load %arg9[%get3A_710, %get3A_711] : memref<100x256xbf16, #tpu.memory_space<vmem>>, vector<100x256xbf16>
    %dot_general3A_713 = arith.constant dense<0.000000e+00> : vector<2048x256xf32>
    %dot_general3A_714 = tpu.matmul %convert_element_type3A_682, %get3A_712, %dot_general3A_713 {dimension_numbers = #tpu.dot_dimension_numbers<[1], [0], [0], [1], [0, 0, 1, 1], [], []>, transpose_lhs_hint = false} : vector<2048x100xbf16>, vector<100x256xbf16>, vector<2048x256xf32> -> vector<2048x256xf32>
    %add3A_715 = arith.addf %add3A_709, %dot_general3A_714 : vector<2048x256xf32>
    %get3A_716 = arith.constant 0 : index
    %get3A_717 = arith.constant 0 : index
    %get3A_718 = vector.load %arg10[%get3A_716, %get3A_717] : memref<1x256xf32, #tpu.memory_space<vmem>>, vector<1x256xf32>
    %add3A_719 = vector.broadcast %get3A_718 : vector<1x256xf32> to vector<2048x256xf32>
    %add3A_720 = arith.addf %add3A_715, %add3A_719 : vector<2048x256xf32>
    %max3A_721 = arith.constant 0.000000e+00 : f32
    %max3A_722 = vector.broadcast %max3A_721 : f32 to vector<2048x256xf32>
    %max3A_723 = arith.maximumf %add3A_720, %max3A_722 : vector<2048x256xf32>
    %convert_element_type3A_724 = arith.truncf %max3A_723 : vector<2048x256xf32> to vector<2048x256xbf16>
    %get3A_725 = arith.constant 0 : index
    %get3A_726 = arith.constant 0 : index
    %get3A_727 = vector.load %arg11[%get3A_725, %get3A_726] : memref<256x256xbf16, #tpu.memory_space<vmem>>, vector<256x256xbf16>
    %dot_general3A_728 = arith.constant dense<0.000000e+00> : vector<2048x256xf32>
    %dot_general3A_729 = tpu.matmul %convert_element_type3A_724, %get3A_727, %dot_general3A_728 {dimension_numbers = #tpu.dot_dimension_numbers<[1], [0], [0], [1], [0, 0, 1, 1], [], []>, transpose_lhs_hint = false} : vector<2048x256xbf16>, vector<256x256xbf16>, vector<2048x256xf32> -> vector<2048x256xf32>
    %get3A_730 = arith.constant 0 : index
    %get3A_731 = arith.constant 0 : index
    %get3A_732 = vector.load %arg12[%get3A_730, %get3A_731] : memref<256x256xbf16, #tpu.memory_space<vmem>>, vector<256x256xbf16>
    %dot_general3A_733 = arith.constant dense<0.000000e+00> : vector<2048x256xf32>
    %dot_general3A_734 = tpu.matmul %convert_element_type3A_724, %get3A_732, %dot_general3A_733 {dimension_numbers = #tpu.dot_dimension_numbers<[1], [0], [0], [1], [0, 0, 1, 1], [], []>, transpose_lhs_hint = false} : vector<2048x256xbf16>, vector<256x256xbf16>, vector<2048x256xf32> -> vector<2048x256xf32>
    %add3A_735 = arith.addf %dot_general3A_729, %dot_general3A_734 : vector<2048x256xf32>
    %get3A_736 = arith.constant 0 : index
    %get3A_737 = arith.constant 0 : index
    %get3A_738 = vector.load %arg13[%get3A_736, %get3A_737] : memref<1x256xf32, #tpu.memory_space<vmem>>, vector<1x256xf32>
    %add3A_739 = vector.broadcast %get3A_738 : vector<1x256xf32> to vector<2048x256xf32>
    %add3A_740 = arith.addf %add3A_735, %add3A_739 : vector<2048x256xf32>
    %max3A_741 = arith.constant 0.000000e+00 : f32
    %max3A_742 = vector.broadcast %max3A_741 : f32 to vector<2048x256xf32>
    %max3A_743 = arith.maximumf %add3A_740, %max3A_742 : vector<2048x256xf32>
    %convert_element_type3A_744 = arith.truncf %max3A_743 : vector<2048x256xf32> to vector<2048x256xbf16>
    %get3A_745 = arith.constant 0 : index
    %get3A_746 = arith.constant 0 : index
    %get3A_747 = vector.load %arg14[%get3A_745, %get3A_746] : memref<256x256xbf16, #tpu.memory_space<vmem>>, vector<256x256xbf16>
    %dot_general3A_748 = arith.constant dense<0.000000e+00> : vector<2048x256xf32>
    %dot_general3A_749 = tpu.matmul %convert_element_type3A_744, %get3A_747, %dot_general3A_748 {dimension_numbers = #tpu.dot_dimension_numbers<[1], [0], [0], [1], [0, 0, 1, 1], [], []>, transpose_lhs_hint = false} : vector<2048x256xbf16>, vector<256x256xbf16>, vector<2048x256xf32> -> vector<2048x256xf32>
    %get3A_750 = arith.constant 0 : index
    %get3A_751 = arith.constant 0 : index
    %get3A_752 = vector.load %arg15[%get3A_750, %get3A_751] : memref<256x256xbf16, #tpu.memory_space<vmem>>, vector<256x256xbf16>
    %dot_general3A_753 = arith.constant dense<0.000000e+00> : vector<2048x256xf32>
    %dot_general3A_754 = tpu.matmul %convert_element_type3A_744, %get3A_752, %dot_general3A_753 {dimension_numbers = #tpu.dot_dimension_numbers<[1], [0], [0], [1], [0, 0, 1, 1], [], []>, transpose_lhs_hint = false} : vector<2048x256xbf16>, vector<256x256xbf16>, vector<2048x256xf32> -> vector<2048x256xf32>
    %add3A_755 = arith.addf %dot_general3A_749, %dot_general3A_754 : vector<2048x256xf32>
    %get3A_756 = arith.constant 0 : index
    %get3A_757 = arith.constant 0 : index
    %get3A_758 = vector.load %arg16[%get3A_756, %get3A_757] : memref<1x256xf32, #tpu.memory_space<vmem>>, vector<1x256xf32>
    %add3A_759 = vector.broadcast %get3A_758 : vector<1x256xf32> to vector<2048x256xf32>
    %add3A_760 = arith.addf %add3A_755, %add3A_759 : vector<2048x256xf32>
    %max3A_761 = arith.constant 0.000000e+00 : f32
    %max3A_762 = vector.broadcast %max3A_761 : f32 to vector<2048x256xf32>
    %max3A_763 = arith.maximumf %add3A_760, %max3A_762 : vector<2048x256xf32>
    %reduce_sum3A_764 = arith.constant dense<0.000000e+00> : vector<2048xf32>
    %reduce_sum3A_765 = vector.multi_reduction <add>, %max3A_763, %reduce_sum3A_764 [1] : vector<2048x256xf32> to vector<2048xf32>
    %broadcast_in_dim3A_766 = vector.shape_cast %reduce_sum3A_765 : vector<2048xf32> to vector<2048x1xf32>
    %div3A_767 = arith.constant 2.560000e+02 : f32
    %div3A_768 = vector.broadcast %div3A_767 : f32 to vector<2048x1xf32>
    %div3A_769 = arith.divf %broadcast_in_dim3A_766, %div3A_768 : vector<2048x1xf32>
    %sub3A_770 = vector.broadcast %div3A_769 : vector<2048x1xf32> to vector<2048x256xf32>
    %sub3A_771 = arith.subf %max3A_763, %sub3A_770 : vector<2048x256xf32>
    %integer_pow3A_772 = arith.mulf %sub3A_771, %sub3A_771 : vector<2048x256xf32>
    %reduce_sum3A_773 = arith.constant dense<0.000000e+00> : vector<2048xf32>
    %reduce_sum3A_774 = vector.multi_reduction <add>, %integer_pow3A_772, %reduce_sum3A_773 [1] : vector<2048x256xf32> to vector<2048xf32>
    %broadcast_in_dim3A_775 = vector.shape_cast %reduce_sum3A_774 : vector<2048xf32> to vector<2048x1xf32>
    %div3A_776 = arith.constant 2.560000e+02 : f32
    %div3A_777 = vector.broadcast %div3A_776 : f32 to vector<2048x1xf32>
    %div3A_778 = arith.divf %broadcast_in_dim3A_775, %div3A_777 : vector<2048x1xf32>
    %sub3A_779 = vector.broadcast %div3A_769 : vector<2048x1xf32> to vector<2048x256xf32>
    %sub3A_780 = arith.subf %max3A_763, %sub3A_779 : vector<2048x256xf32>
    %add3A_781 = arith.constant 9.99999974E-6 : f32
    %add3A_782 = vector.broadcast %add3A_781 : f32 to vector<2048x1xf32>
    %add3A_783 = arith.addf %div3A_778, %add3A_782 : vector<2048x1xf32>
    %rsqrt3A_784 = math.rsqrt %add3A_783 : vector<2048x1xf32>
    %mul3A_785 = vector.broadcast %rsqrt3A_784 : vector<2048x1xf32> to vector<2048x256xf32>
    %mul3A_786 = arith.mulf %sub3A_780, %mul3A_785 : vector<2048x256xf32>
    %convert_element_type3A_787 = arith.truncf %mul3A_786 : vector<2048x256xf32> to vector<2048x256xbf16>
    %get3A_788 = arith.constant 0 : index
    %get3A_789 = arith.constant 0 : index
    %get3A_790 = vector.load %arg17[%get3A_788, %get3A_789] : memref<256x1xbf16, #tpu.memory_space<vmem>>, vector<256x1xbf16>
    %dot_general3A_791 = arith.constant dense<0.000000e+00> : vector<2048x1xf32>
    %dot_general3A_792 = tpu.matmul %convert_element_type3A_787, %get3A_790, %dot_general3A_791 {dimension_numbers = #tpu.dot_dimension_numbers<[1], [0], [0], [1], [0, 0, 1, 1], [], []>, transpose_lhs_hint = false} : vector<2048x256xbf16>, vector<256x1xbf16>, vector<2048x1xf32> -> vector<2048x1xf32>
    %get3A_793 = arith.constant 0 : index
    %get3A_794 = arith.constant 0 : index
    %get3A_795 = vector.load %arg18[%get3A_793, %get3A_794] : memref<256x1xbf16, #tpu.memory_space<vmem>>, vector<256x1xbf16>
    %dot_general3A_796 = arith.constant dense<0.000000e+00> : vector<2048x1xf32>
    %dot_general3A_797 = tpu.matmul %convert_element_type3A_787, %get3A_795, %dot_general3A_796 {dimension_numbers = #tpu.dot_dimension_numbers<[1], [0], [0], [1], [0, 0, 1, 1], [], []>, transpose_lhs_hint = false} : vector<2048x256xbf16>, vector<256x1xbf16>, vector<2048x1xf32> -> vector<2048x1xf32>
    %add3A_798 = arith.addf %dot_general3A_792, %dot_general3A_797 : vector<2048x1xf32>
    %get3A_799 = arith.constant 0 : index
    %get3A_800 = arith.constant 0 : index
    %get3A_801 = vector.load %arg19[%get3A_799, %get3A_800] : memref<1x1xf32, #tpu.memory_space<vmem>>, vector<1x1xf32>
    %add3A_802 = vector.broadcast %get3A_801 : vector<1x1xf32> to vector<2048x1xf32>
    %add3A_803 = arith.addf %add3A_798, %add3A_802 : vector<2048x1xf32>
    %reduce_max3A_804 = arith.constant dense<0xFF800000> : vector<1xf32>
    %reduce_max3A_805 = vector.multi_reduction <maximumf>, %add3A_803, %reduce_max3A_804 [0] : vector<2048x1xf32> to vector<1xf32>
    %broadcast_in_dim3A_806 = vector.shape_cast %reduce_max3A_805 : vector<1xf32> to vector<1x1xf32>
    %sub3A_807 = vector.broadcast %broadcast_in_dim3A_806 : vector<1x1xf32> to vector<2048x1xf32>
    %sub3A_808 = arith.subf %add3A_803, %sub3A_807 : vector<2048x1xf32>
    %exp3A_809 = math.exp %sub3A_808 : vector<2048x1xf32>
    %reduce_sum3A_810 = arith.constant dense<0.000000e+00> : vector<1xf32>
    %reduce_sum3A_811 = vector.multi_reduction <add>, %exp3A_809, %reduce_sum3A_810 [0] : vector<2048x1xf32> to vector<1xf32>
    %broadcast_in_dim3A_812 = vector.shape_cast %reduce_sum3A_811 : vector<1xf32> to vector<1x1xf32>
    %div3A_813 = vector.broadcast %broadcast_in_dim3A_812 : vector<1x1xf32> to vector<2048x1xf32>
    %div3A_814 = arith.divf %exp3A_809, %div3A_813 : vector<2048x1xf32>
    %swap3A_815 = arith.constant 2 : index
    %swap3A_816 = arith.constant 0 : index
    %swap3A_817 = arith.constant 0 : index
    %swap3A_818 = vector.load %arg20[%swap3A_815, %swap3A_816, %swap3A_817] : memref<4x2048x1xf32, #tpu.memory_space<vmem>>, vector<1x2048x1xf32>
    %swap3A_819 = vector.shape_cast %swap3A_818 : vector<1x2048x1xf32> to vector<2048x1xf32>
    %swap3A_820 = vector.shape_cast %div3A_814 : vector<2048x1xf32> to vector<1x2048x1xf32>
    tpu.vector_store %arg20[%swap3A_815, %swap3A_816, %swap3A_817], %swap3A_820 {strides = array<i32>} : memref<4x2048x1xf32, #tpu.memory_space<vmem>>, vector<1x2048x1xf32>,
    %get3A_821 = arith.constant 3 : index
    %get3A_822 = arith.constant 0 : index
    %get3A_823 = arith.constant 0 : index
    %get3A_824 = vector.load %arg1[%get3A_821, %get3A_822, %get3A_823] : memref<4x2048x64xi32, #tpu.memory_space<vmem>>, vector<1x2048x64xi32>
    %get3A_825 = vector.shape_cast %get3A_824 : vector<1x2048x64xi32> to vector<2048x64xi32>
    %convert_element_type3A_826 = arith.sitofp %get3A_825 : vector<2048x64xi32> to vector<2048x64xf32>
    %get3A_827 = arith.constant 3 : index
    %get3A_828 = arith.constant 0 : index
    %get3A_829 = arith.constant 0 : index
    %get3A_830 = vector.load %arg2[%get3A_827, %get3A_828, %get3A_829] : memref<4x64x256xf32, #tpu.memory_space<vmem>>, vector<1x64x256xf32>
    %get3A_831 = vector.shape_cast %get3A_830 : vector<1x64x256xf32> to vector<64x256xf32>
    %get3A_832 = arith.constant 3 : index
    %get3A_833 = arith.constant 0 : index
    %get3A_834 = arith.constant 0 : index
    %get3A_835 = vector.load %arg3[%get3A_832, %get3A_833, %get3A_834] : memref<4x1x64xf32, #tpu.memory_space<vmem>>, vector<1x1x64xf32>
    %get3A_836 = vector.shape_cast %get3A_835 : vector<1x1x64xf32> to vector<1x64xf32>
    %get3A_837 = arith.constant 3 : index
    %get3A_838 = arith.constant 0 : index
    %get3A_839 = arith.constant 0 : index
    %get3A_840 = vector.load %arg4[%get3A_837, %get3A_838, %get3A_839] : memref<4x64x1xf32, #tpu.memory_space<vmem>>, vector<1x64x1xf32>
    %get3A_841 = vector.shape_cast %get3A_840 : vector<1x64x1xf32> to vector<64x1xf32>
    %get3A_842 = arith.constant 3 : index
    %get3A_843 = arith.constant 0 : index
    %get3A_844 = arith.constant 0 : index
    %get3A_845 = vector.load %arg5[%get3A_842, %get3A_843, %get3A_844] : memref<4x64x5xf32, #tpu.memory_space<vmem>>, vector<1x64x5xf32>
    %get3A_846 = vector.shape_cast %get3A_845 : vector<1x64x5xf32> to vector<64x5xf32>
    %mul3A_847 = vector.broadcast %get3A_841 : vector<64x1xf32> to vector<64x256xf32>
    %mul3A_848 = arith.mulf %get3A_831, %mul3A_847 : vector<64x256xf32>
    %mul3A_849 = vector.broadcast %get3A_836 : vector<1x64xf32> to vector<2048x64xf32>
    %mul3A_850 = arith.mulf %convert_element_type3A_826, %mul3A_849 : vector<2048x64xf32>
    %convert_element_type3A_851 = arith.truncf %mul3A_850 : vector<2048x64xf32> to vector<2048x64xbf16>
    %convert_element_type3A_852 = arith.truncf %mul3A_848 : vector<64x256xf32> to vector<64x256xbf16>
    %convert_element_type3A_853 = arith.extf %convert_element_type3A_852 : vector<64x256xbf16> to vector<64x256xf32>
    %sub3A_854 = arith.subf %mul3A_848, %convert_element_type3A_853 : vector<64x256xf32>
    %convert_element_type3A_855 = arith.truncf %sub3A_854 : vector<64x256xf32> to vector<64x256xbf16>
    %dot_general3A_856 = arith.constant dense<0.000000e+00> : vector<2048x256xf32>
    %dot_general3A_857 = tpu.matmul %convert_element_type3A_851, %convert_element_type3A_852, %dot_general3A_856 {dimension_numbers = #tpu.dot_dimension_numbers<[1], [0], [0], [1], [0, 0, 1, 1], [], []>, transpose_lhs_hint = false} : vector<2048x64xbf16>, vector<64x256xbf16>, vector<2048x256xf32> -> vector<2048x256xf32>
    %dot_general3A_858 = arith.constant dense<0.000000e+00> : vector<2048x256xf32>
    %dot_general3A_859 = tpu.matmul %convert_element_type3A_851, %convert_element_type3A_855, %dot_general3A_858 {dimension_numbers = #tpu.dot_dimension_numbers<[1], [0], [0], [1], [0, 0, 1, 1], [], []>, transpose_lhs_hint = false} : vector<2048x64xbf16>, vector<64x256xbf16>, vector<2048x256xf32> -> vector<2048x256xf32>
    %add3A_860 = arith.addf %dot_general3A_857, %dot_general3A_859 : vector<2048x256xf32>
    %reduce_sum3A_861 = arith.constant dense<0.000000e+00> : vector<2048xf32>
    %reduce_sum3A_862 = vector.multi_reduction <add>, %mul3A_850, %reduce_sum3A_861 [1] : vector<2048x64xf32> to vector<2048xf32>
    %broadcast_in_dim3A_863 = vector.shape_cast %reduce_sum3A_862 : vector<2048xf32> to vector<2048x1xf32>
    %add3A_864 = arith.constant 9.99999974E-5 : f32
    %add3A_865 = vector.broadcast %add3A_864 : f32 to vector<2048x1xf32>
    %add3A_866 = arith.addf %broadcast_in_dim3A_863, %add3A_865 : vector<2048x1xf32>
    %reduce_sum3A_867 = arith.constant dense<0.000000e+00> : vector<2048xf32>
    %reduce_sum3A_868 = vector.multi_reduction <add>, %add3A_860, %reduce_sum3A_867 [1] : vector<2048x256xf32> to vector<2048xf32>
    %broadcast_in_dim3A_869 = vector.shape_cast %reduce_sum3A_868 : vector<2048xf32> to vector<2048x1xf32>
    %div3A_870 = arith.constant 2.560000e+02 : f32
    %div3A_871 = vector.broadcast %div3A_870 : f32 to vector<2048x1xf32>
    %div3A_872 = arith.divf %broadcast_in_dim3A_869, %div3A_871 : vector<2048x1xf32>
    %sub3A_873 = vector.broadcast %div3A_872 : vector<2048x1xf32> to vector<2048x256xf32>
    %sub3A_874 = arith.subf %add3A_860, %sub3A_873 : vector<2048x256xf32>
    %integer_pow3A_875 = arith.mulf %sub3A_874, %sub3A_874 : vector<2048x256xf32>
    %reduce_sum3A_876 = arith.constant dense<0.000000e+00> : vector<2048xf32>
    %reduce_sum3A_877 = vector.multi_reduction <add>, %integer_pow3A_875, %reduce_sum3A_876 [1] : vector<2048x256xf32> to vector<2048xf32>
    %broadcast_in_dim3A_878 = vector.shape_cast %reduce_sum3A_877 : vector<2048xf32> to vector<2048x1xf32>
    %div3A_879 = arith.constant 2.560000e+02 : f32
    %div3A_880 = vector.broadcast %div3A_879 : f32 to vector<2048x1xf32>
    %div3A_881 = arith.divf %broadcast_in_dim3A_878, %div3A_880 : vector<2048x1xf32>
    %sub3A_882 = vector.broadcast %div3A_872 : vector<2048x1xf32> to vector<2048x256xf32>
    %sub3A_883 = arith.subf %add3A_860, %sub3A_882 : vector<2048x256xf32>
    %mul3A_884 = arith.mulf %add3A_866, %add3A_866 : vector<2048x1xf32>
    %mul3A_885 = arith.constant 9.99999974E-6 : f32
    %mul3A_886 = vector.broadcast %mul3A_885 : f32 to vector<2048x1xf32>
    %mul3A_887 = arith.mulf %mul3A_886, %mul3A_884 : vector<2048x1xf32>
    %add3A_888 = arith.addf %div3A_881, %mul3A_887 : vector<2048x1xf32>
    %rsqrt3A_889 = math.rsqrt %add3A_888 : vector<2048x1xf32>
    %mul3A_890 = vector.broadcast %rsqrt3A_889 : vector<2048x1xf32> to vector<2048x256xf32>
    %mul3A_891 = arith.mulf %sub3A_883, %mul3A_890 : vector<2048x256xf32>
    %convert_element_type3A_892 = arith.truncf %convert_element_type3A_826 : vector<2048x64xf32> to vector<2048x64xbf16>
    %convert_element_type3A_893 = arith.truncf %get3A_846 : vector<64x5xf32> to vector<64x5xbf16>
    %dot_general3A_894 = arith.constant dense<0.000000e+00> : vector<2048x5xf32>
    %dot_general3A_895 = tpu.matmul %convert_element_type3A_892, %convert_element_type3A_893, %dot_general3A_894 {dimension_numbers = #tpu.dot_dimension_numbers<[1], [0], [0], [1], [0, 0, 1, 1], [], []>, transpose_lhs_hint = false} : vector<2048x64xbf16>, vector<64x5xbf16>, vector<2048x5xf32> -> vector<2048x5xf32>
    %iota3A_896 = tpu.iota {dimensions = array<i32: 1>} : vector<5x100xi32>
    %jit3A_897 = arith.constant 20 : i32
    %div3A_898 = vector.broadcast %jit3A_897 : i32 to vector<5x100xi32>
    %div3A_899 = arith.divsi %iota3A_896, %div3A_898 : vector<5x100xi32>
    %sign3A_900 = arith.constant 0 : i32
    %sign3A_901 = vector.broadcast %sign3A_900 : i32 to vector<5x100xi32>
    %sign3A_902 = arith.cmpi sgt, %iota3A_896, %sign3A_901 : vector<5x100xi32>
    %sign3A_903 = arith.extui %sign3A_902 : vector<5x100xi1> to vector<5x100xi32>
    %sign3A_904 = arith.constant 0 : i32
    %sign3A_905 = vector.broadcast %sign3A_904 : i32 to vector<5x100xi32>
    %sign3A_906 = arith.cmpi slt, %iota3A_896, %sign3A_905 : vector<5x100xi32>
    %sign3A_907 = arith.extui %sign3A_906 : vector<5x100xi1> to vector<5x100xi32>
    %sign3A_908 = arith.subi %sign3A_903, %sign3A_907 : vector<5x100xi32>
    %sign3A_909 = arith.constant 0 : i32
    %sign3A_910 = arith.cmpi sgt, %jit3A_897, %sign3A_909 : i32
    %sign3A_911 = arith.extui %sign3A_910 : i1 to i32
    %sign3A_912 = arith.constant 0 : i32
    %sign3A_913 = arith.cmpi slt, %jit3A_897, %sign3A_912 : i32
    %sign3A_914 = arith.extui %sign3A_913 : i1 to i32
    %sign3A_915 = arith.subi %sign3A_911, %sign3A_914 : i32
    %ne3A_916 = vector.broadcast %sign3A_915 : i32 to vector<5x100xi32>
    %ne3A_917 = arith.cmpi ne, %sign3A_908, %ne3A_916 : vector<5x100xi32>
    %rem3A_918 = vector.broadcast %jit3A_897 : i32 to vector<5x100xi32>
    %rem3A_919 = arith.remsi %iota3A_896, %rem3A_918 : vector<5x100xi32>
    %ne3A_920 = arith.constant 0 : i32
    %ne3A_921 = vector.broadcast %ne3A_920 : i32 to vector<5x100xi32>
    %ne3A_922 = arith.cmpi ne, %rem3A_919, %ne3A_921 : vector<5x100xi32>
    %and3A_923 = arith.andi %ne3A_917, %ne3A_922 : vector<5x100xi1>
    %sub3A_924 = arith.constant 1 : i32
    %sub3A_925 = vector.broadcast %sub3A_924 : i32 to vector<5x100xi32>
    %sub3A_926 = arith.subi %div3A_899, %sub3A_925 : vector<5x100xi32>
    %select_n3A_927 = arith.select %and3A_923, %sub3A_926, %div3A_899 : vector<5x100xi1>, vector<5x100xi32>
    %iota3A_928 = tpu.iota {dimensions = array<i32: 0>} : vector<5x100xi32>
    %eq3A_929 = arith.cmpi eq, %select_n3A_927, %iota3A_928 : vector<5x100xi32>
    %convert_element_type3A_930 = arith.extui %eq3A_929 : vector<5x100xi1> to vector<5x100xi32>
    %convert_element_type3A_931 = arith.sitofp %convert_element_type3A_930 : vector<5x100xi32> to vector<5x100xf32>
    %convert_element_type3A_932 = arith.truncf %convert_element_type3A_931 : vector<5x100xf32> to vector<5x100xbf16>
    %convert_element_type3A_933 = arith.truncf %dot_general3A_895 : vector<2048x5xf32> to vector<2048x5xbf16>
    %dot_general3A_934 = arith.constant dense<0.000000e+00> : vector<2048x100xf32>
    %dot_general3A_935 = tpu.matmul %convert_element_type3A_933, %convert_element_type3A_932, %dot_general3A_934 {dimension_numbers = #tpu.dot_dimension_numbers<[1], [0], [0], [1], [0, 0, 1, 1], [], []>, transpose_lhs_hint = false} : vector<2048x5xbf16>, vector<5x100xbf16>, vector<2048x100xf32> -> vector<2048x100xf32>
    %iota3A_936 = tpu.iota {dimensions = array<i32: 1>} : vector<1x100xi32>
    %jit3A_937 = arith.constant 20 : i32
    %eq3A_938 = arith.constant 0 : i32
    %eq3A_939 = arith.cmpi eq, %jit3A_937, %eq3A_938 : i32
    %jit3A_940 = arith.constant 1 : i32
    %select_n3A_941 = arith.select %eq3A_939, %jit3A_940, %jit3A_937 : i32
    %rem3A_942 = vector.broadcast %select_n3A_941 : i32 to vector<1x100xi32>
    %rem3A_943 = arith.remsi %iota3A_936, %rem3A_942 : vector<1x100xi32>
    %ne3A_944 = arith.constant 0 : i32
    %ne3A_945 = vector.broadcast %ne3A_944 : i32 to vector<1x100xi32>
    %ne3A_946 = arith.cmpi ne, %rem3A_943, %ne3A_945 : vector<1x100xi32>
    %lt3A_947 = arith.constant 0 : i32
    %lt3A_948 = vector.broadcast %lt3A_947 : i32 to vector<1x100xi32>
    %lt3A_949 = arith.cmpi slt, %rem3A_943, %lt3A_948 : vector<1x100xi32>
    %lt3A_950 = arith.constant 0 : i32
    %lt3A_951 = arith.cmpi slt, %select_n3A_941, %lt3A_950 : i32
    %ne3A_952 = vector.broadcast %lt3A_951 : i1 to vector<1x100xi1>
    %ne3A_953 = vector.broadcast %ne3A_952 : vector<1x100xi1> to vector<1x100xi1>
    %ne3A_954 = arith.xori %lt3A_949, %ne3A_953 : vector<1x100xi1>
    %and3A_955 = arith.andi %ne3A_954, %ne3A_946 : vector<1x100xi1>
    %add3A_956 = vector.broadcast %select_n3A_941 : i32 to vector<1x100xi32>
    %add3A_957 = arith.addi %rem3A_943, %add3A_956 : vector<1x100xi32>
    %select_n3A_958 = arith.select %and3A_955, %add3A_957, %rem3A_943 : vector<1x100xi1>, vector<1x100xi32>
    %convert_element_type3A_959 = arith.sitofp %select_n3A_958 : vector<1x100xi32> to vector<1x100xf32>
    %le3A_960 = vector.broadcast %convert_element_type3A_959 : vector<1x100xf32> to vector<2048x100xf32>
    %le3A_961 = arith.cmpf ole, %le3A_960, %dot_general3A_935 : vector<2048x100xf32>
    %convert_element_type3A_962 = arith.extui %le3A_961 : vector<2048x100xi1> to vector<2048x100xi32>
    %convert_element_type3A_963 = arith.sitofp %convert_element_type3A_962 : vector<2048x100xi32> to vector<2048x100xf32>
    %convert_element_type3A_964 = arith.truncf %convert_element_type3A_963 : vector<2048x100xf32> to vector<2048x100xbf16>
    %convert_element_type3A_965 = arith.truncf %mul3A_891 : vector<2048x256xf32> to vector<2048x256xbf16>
    %convert_element_type3A_966 = arith.extf %convert_element_type3A_965 : vector<2048x256xbf16> to vector<2048x256xf32>
    %sub3A_967 = arith.subf %mul3A_891, %convert_element_type3A_966 : vector<2048x256xf32>
    %convert_element_type3A_968 = arith.truncf %sub3A_967 : vector<2048x256xf32> to vector<2048x256xbf16>
    %get3A_969 = arith.constant 0 : index
    %get3A_970 = arith.constant 0 : index
    %get3A_971 = vector.load %arg6[%get3A_969, %get3A_970] : memref<256x256xbf16, #tpu.memory_space<vmem>>, vector<256x256xbf16>
    %dot_general3A_972 = arith.constant dense<0.000000e+00> : vector<2048x256xf32>
    %dot_general3A_973 = tpu.matmul %convert_element_type3A_965, %get3A_971, %dot_general3A_972 {dimension_numbers = #tpu.dot_dimension_numbers<[1], [0], [0], [1], [0, 0, 1, 1], [], []>, transpose_lhs_hint = false} : vector<2048x256xbf16>, vector<256x256xbf16>, vector<2048x256xf32> -> vector<2048x256xf32>
    %get3A_974 = arith.constant 0 : index
    %get3A_975 = arith.constant 0 : index
    %get3A_976 = vector.load %arg7[%get3A_974, %get3A_975] : memref<256x256xbf16, #tpu.memory_space<vmem>>, vector<256x256xbf16>
    %dot_general3A_977 = arith.constant dense<0.000000e+00> : vector<2048x256xf32>
    %dot_general3A_978 = tpu.matmul %convert_element_type3A_965, %get3A_976, %dot_general3A_977 {dimension_numbers = #tpu.dot_dimension_numbers<[1], [0], [0], [1], [0, 0, 1, 1], [], []>, transpose_lhs_hint = false} : vector<2048x256xbf16>, vector<256x256xbf16>, vector<2048x256xf32> -> vector<2048x256xf32>
    %add3A_979 = arith.addf %dot_general3A_973, %dot_general3A_978 : vector<2048x256xf32>
    %get3A_980 = arith.constant 0 : index
    %get3A_981 = arith.constant 0 : index
    %get3A_982 = vector.load %arg6[%get3A_980, %get3A_981] : memref<256x256xbf16, #tpu.memory_space<vmem>>, vector<256x256xbf16>
    %dot_general3A_983 = arith.constant dense<0.000000e+00> : vector<2048x256xf32>
    %dot_general3A_984 = tpu.matmul %convert_element_type3A_968, %get3A_982, %dot_general3A_983 {dimension_numbers = #tpu.dot_dimension_numbers<[1], [0], [0], [1], [0, 0, 1, 1], [], []>, transpose_lhs_hint = false} : vector<2048x256xbf16>, vector<256x256xbf16>, vector<2048x256xf32> -> vector<2048x256xf32>
    %add3A_985 = arith.addf %add3A_979, %dot_general3A_984 : vector<2048x256xf32>
    %get3A_986 = arith.constant 0 : index
    %get3A_987 = arith.constant 0 : index
    %get3A_988 = vector.load %arg8[%get3A_986, %get3A_987] : memref<100x256xbf16, #tpu.memory_space<vmem>>, vector<100x256xbf16>
    %dot_general3A_989 = arith.constant dense<0.000000e+00> : vector<2048x256xf32>
    %dot_general3A_990 = tpu.matmul %convert_element_type3A_964, %get3A_988, %dot_general3A_989 {dimension_numbers = #tpu.dot_dimension_numbers<[1], [0], [0], [1], [0, 0, 1, 1], [], []>, transpose_lhs_hint = false} : vector<2048x100xbf16>, vector<100x256xbf16>, vector<2048x256xf32> -> vector<2048x256xf32>
    %add3A_991 = arith.addf %add3A_985, %dot_general3A_990 : vector<2048x256xf32>
    %get3A_992 = arith.constant 0 : index
    %get3A_993 = arith.constant 0 : index
    %get3A_994 = vector.load %arg9[%get3A_992, %get3A_993] : memref<100x256xbf16, #tpu.memory_space<vmem>>, vector<100x256xbf16>
    %dot_general3A_995 = arith.constant dense<0.000000e+00> : vector<2048x256xf32>
    %dot_general3A_996 = tpu.matmul %convert_element_type3A_964, %get3A_994, %dot_general3A_995 {dimension_numbers = #tpu.dot_dimension_numbers<[1], [0], [0], [1], [0, 0, 1, 1], [], []>, transpose_lhs_hint = false} : vector<2048x100xbf16>, vector<100x256xbf16>, vector<2048x256xf32> -> vector<2048x256xf32>
    %add3A_997 = arith.addf %add3A_991, %dot_general3A_996 : vector<2048x256xf32>
    %get3A_998 = arith.constant 0 : index
    %get3A_999 = arith.constant 0 : index
    %get3A_1000 = vector.load %arg10[%get3A_998, %get3A_999] : memref<1x256xf32, #tpu.memory_space<vmem>>, vector<1x256xf32>
    %add3A_1001 = vector.broadcast %get3A_1000 : vector<1x256xf32> to vector<2048x256xf32>
    %add3A_1002 = arith.addf %add3A_997, %add3A_1001 : vector<2048x256xf32>
    %max3A_1003 = arith.constant 0.000000e+00 : f32
    %max3A_1004 = vector.broadcast %max3A_1003 : f32 to vector<2048x256xf32>
    %max3A_1005 = arith.maximumf %add3A_1002, %max3A_1004 : vector<2048x256xf32>
    %convert_element_type3A_1006 = arith.truncf %max3A_1005 : vector<2048x256xf32> to vector<2048x256xbf16>
    %get3A_1007 = arith.constant 0 : index
    %get3A_1008 = arith.constant 0 : index
    %get3A_1009 = vector.load %arg11[%get3A_1007, %get3A_1008] : memref<256x256xbf16, #tpu.memory_space<vmem>>, vector<256x256xbf16>
    %dot_general3A_1010 = arith.constant dense<0.000000e+00> : vector<2048x256xf32>
    %dot_general3A_1011 = tpu.matmul %convert_element_type3A_1006, %get3A_1009, %dot_general3A_1010 {dimension_numbers = #tpu.dot_dimension_numbers<[1], [0], [0], [1], [0, 0, 1, 1], [], []>, transpose_lhs_hint = false} : vector<2048x256xbf16>, vector<256x256xbf16>, vector<2048x256xf32> -> vector<2048x256xf32>
    %get3A_1012 = arith.constant 0 : index
    %get3A_1013 = arith.constant 0 : index
    %get3A_1014 = vector.load %arg12[%get3A_1012, %get3A_1013] : memref<256x256xbf16, #tpu.memory_space<vmem>>, vector<256x256xbf16>
    %dot_general3A_1015 = arith.constant dense<0.000000e+00> : vector<2048x256xf32>
    %dot_general3A_1016 = tpu.matmul %convert_element_type3A_1006, %get3A_1014, %dot_general3A_1015 {dimension_numbers = #tpu.dot_dimension_numbers<[1], [0], [0], [1], [0, 0, 1, 1], [], []>, transpose_lhs_hint = false} : vector<2048x256xbf16>, vector<256x256xbf16>, vector<2048x256xf32> -> vector<2048x256xf32>
    %add3A_1017 = arith.addf %dot_general3A_1011, %dot_general3A_1016 : vector<2048x256xf32>
    %get3A_1018 = arith.constant 0 : index
    %get3A_1019 = arith.constant 0 : index
    %get3A_1020 = vector.load %arg13[%get3A_1018, %get3A_1019] : memref<1x256xf32, #tpu.memory_space<vmem>>, vector<1x256xf32>
    %add3A_1021 = vector.broadcast %get3A_1020 : vector<1x256xf32> to vector<2048x256xf32>
    %add3A_1022 = arith.addf %add3A_1017, %add3A_1021 : vector<2048x256xf32>
    %max3A_1023 = arith.constant 0.000000e+00 : f32
    %max3A_1024 = vector.broadcast %max3A_1023 : f32 to vector<2048x256xf32>
    %max3A_1025 = arith.maximumf %add3A_1022, %max3A_1024 : vector<2048x256xf32>
    %convert_element_type3A_1026 = arith.truncf %max3A_1025 : vector<2048x256xf32> to vector<2048x256xbf16>
    %get3A_1027 = arith.constant 0 : index
    %get3A_1028 = arith.constant 0 : index
    %get3A_1029 = vector.load %arg14[%get3A_1027, %get3A_1028] : memref<256x256xbf16, #tpu.memory_space<vmem>>, vector<256x256xbf16>
    %dot_general3A_1030 = arith.constant dense<0.000000e+00> : vector<2048x256xf32>
    %dot_general3A_1031 = tpu.matmul %convert_element_type3A_1026, %get3A_1029, %dot_general3A_1030 {dimension_numbers = #tpu.dot_dimension_numbers<[1], [0], [0], [1], [0, 0, 1, 1], [], []>, transpose_lhs_hint = false} : vector<2048x256xbf16>, vector<256x256xbf16>, vector<2048x256xf32> -> vector<2048x256xf32>
    %get3A_1032 = arith.constant 0 : index
    %get3A_1033 = arith.constant 0 : index
    %get3A_1034 = vector.load %arg15[%get3A_1032, %get3A_1033] : memref<256x256xbf16, #tpu.memory_space<vmem>>, vector<256x256xbf16>
    %dot_general3A_1035 = arith.constant dense<0.000000e+00> : vector<2048x256xf32>
    %dot_general3A_1036 = tpu.matmul %convert_element_type3A_1026, %get3A_1034, %dot_general3A_1035 {dimension_numbers = #tpu.dot_dimension_numbers<[1], [0], [0], [1], [0, 0, 1, 1], [], []>, transpose_lhs_hint = false} : vector<2048x256xbf16>, vector<256x256xbf16>, vector<2048x256xf32> -> vector<2048x256xf32>
    %add3A_1037 = arith.addf %dot_general3A_1031, %dot_general3A_1036 : vector<2048x256xf32>
    %get3A_1038 = arith.constant 0 : index
    %get3A_1039 = arith.constant 0 : index
    %get3A_1040 = vector.load %arg16[%get3A_1038, %get3A_1039] : memref<1x256xf32, #tpu.memory_space<vmem>>, vector<1x256xf32>
    %add3A_1041 = vector.broadcast %get3A_1040 : vector<1x256xf32> to vector<2048x256xf32>
    %add3A_1042 = arith.addf %add3A_1037, %add3A_1041 : vector<2048x256xf32>
    %max3A_1043 = arith.constant 0.000000e+00 : f32
    %max3A_1044 = vector.broadcast %max3A_1043 : f32 to vector<2048x256xf32>
    %max3A_1045 = arith.maximumf %add3A_1042, %max3A_1044 : vector<2048x256xf32>
    %reduce_sum3A_1046 = arith.constant dense<0.000000e+00> : vector<2048xf32>
    %reduce_sum3A_1047 = vector.multi_reduction <add>, %max3A_1045, %reduce_sum3A_1046 [1] : vector<2048x256xf32> to vector<2048xf32>
    %broadcast_in_dim3A_1048 = vector.shape_cast %reduce_sum3A_1047 : vector<2048xf32> to vector<2048x1xf32>
    %div3A_1049 = arith.constant 2.560000e+02 : f32
    %div3A_1050 = vector.broadcast %div3A_1049 : f32 to vector<2048x1xf32>
    %div3A_1051 = arith.divf %broadcast_in_dim3A_1048, %div3A_1050 : vector<2048x1xf32>
    %sub3A_1052 = vector.broadcast %div3A_1051 : vector<2048x1xf32> to vector<2048x256xf32>
    %sub3A_1053 = arith.subf %max3A_1045, %sub3A_1052 : vector<2048x256xf32>
    %integer_pow3A_1054 = arith.mulf %sub3A_1053, %sub3A_1053 : vector<2048x256xf32>
    %reduce_sum3A_1055 = arith.constant dense<0.000000e+00> : vector<2048xf32>
    %reduce_sum3A_1056 = vector.multi_reduction <add>, %integer_pow3A_1054, %reduce_sum3A_1055 [1] : vector<2048x256xf32> to vector<2048xf32>
    %broadcast_in_dim3A_1057 = vector.shape_cast %reduce_sum3A_1056 : vector<2048xf32> to vector<2048x1xf32>
    %div3A_1058 = arith.constant 2.560000e+02 : f32
    %div3A_1059 = vector.broadcast %div3A_1058 : f32 to vector<2048x1xf32>
    %div3A_1060 = arith.divf %broadcast_in_dim3A_1057, %div3A_1059 : vector<2048x1xf32>
    %sub3A_1061 = vector.broadcast %div3A_1051 : vector<2048x1xf32> to vector<2048x256xf32>
    %sub3A_1062 = arith.subf %max3A_1045, %sub3A_1061 : vector<2048x256xf32>
    %add3A_1063 = arith.constant 9.99999974E-6 : f32
    %add3A_1064 = vector.broadcast %add3A_1063 : f32 to vector<2048x1xf32>
    %add3A_1065 = arith.addf %div3A_1060, %add3A_1064 : vector<2048x1xf32>
    %rsqrt3A_1066 = math.rsqrt %add3A_1065 : vector<2048x1xf32>
    %mul3A_1067 = vector.broadcast %rsqrt3A_1066 : vector<2048x1xf32> to vector<2048x256xf32>
    %mul3A_1068 = arith.mulf %sub3A_1062, %mul3A_1067 : vector<2048x256xf32>
    %convert_element_type3A_1069 = arith.truncf %mul3A_1068 : vector<2048x256xf32> to vector<2048x256xbf16>
    %get3A_1070 = arith.constant 0 : index
    %get3A_1071 = arith.constant 0 : index
    %get3A_1072 = vector.load %arg17[%get3A_1070, %get3A_1071] : memref<256x1xbf16, #tpu.memory_space<vmem>>, vector<256x1xbf16>
    %dot_general3A_1073 = arith.constant dense<0.000000e+00> : vector<2048x1xf32>
    %dot_general3A_1074 = tpu.matmul %convert_element_type3A_1069, %get3A_1072, %dot_general3A_1073 {dimension_numbers = #tpu.dot_dimension_numbers<[1], [0], [0], [1], [0, 0, 1, 1], [], []>, transpose_lhs_hint = false} : vector<2048x256xbf16>, vector<256x1xbf16>, vector<2048x1xf32> -> vector<2048x1xf32>
    %get3A_1075 = arith.constant 0 : index
    %get3A_1076 = arith.constant 0 : index
    %get3A_1077 = vector.load %arg18[%get3A_1075, %get3A_1076] : memref<256x1xbf16, #tpu.memory_space<vmem>>, vector<256x1xbf16>
    %dot_general3A_1078 = arith.constant dense<0.000000e+00> : vector<2048x1xf32>
    %dot_general3A_1079 = tpu.matmul %convert_element_type3A_1069, %get3A_1077, %dot_general3A_1078 {dimension_numbers = #tpu.dot_dimension_numbers<[1], [0], [0], [1], [0, 0, 1, 1], [], []>, transpose_lhs_hint = false} : vector<2048x256xbf16>, vector<256x1xbf16>, vector<2048x1xf32> -> vector<2048x1xf32>
    %add3A_1080 = arith.addf %dot_general3A_1074, %dot_general3A_1079 : vector<2048x1xf32>
    %get3A_1081 = arith.constant 0 : index
    %get3A_1082 = arith.constant 0 : index
    %get3A_1083 = vector.load %arg19[%get3A_1081, %get3A_1082] : memref<1x1xf32, #tpu.memory_space<vmem>>, vector<1x1xf32>
    %add3A_1084 = vector.broadcast %get3A_1083 : vector<1x1xf32> to vector<2048x1xf32>
    %add3A_1085 = arith.addf %add3A_1080, %add3A_1084 : vector<2048x1xf32>
    %reduce_max3A_1086 = arith.constant dense<0xFF800000> : vector<1xf32>
    %reduce_max3A_1087 = vector.multi_reduction <maximumf>, %add3A_1085, %reduce_max3A_1086 [0] : vector<2048x1xf32> to vector<1xf32>
    %broadcast_in_dim3A_1088 = vector.shape_cast %reduce_max3A_1087 : vector<1xf32> to vector<1x1xf32>
    %sub3A_1089 = vector.broadcast %broadcast_in_dim3A_1088 : vector<1x1xf32> to vector<2048x1xf32>
    %sub3A_1090 = arith.subf %add3A_1085, %sub3A_1089 : vector<2048x1xf32>
    %exp3A_1091 = math.exp %sub3A_1090 : vector<2048x1xf32>
    %reduce_sum3A_1092 = arith.constant dense<0.000000e+00> : vector<1xf32>
    %reduce_sum3A_1093 = vector.multi_reduction <add>, %exp3A_1091, %reduce_sum3A_1092 [0] : vector<2048x1xf32> to vector<1xf32>
    %broadcast_in_dim3A_1094 = vector.shape_cast %reduce_sum3A_1093 : vector<1xf32> to vector<1x1xf32>
    %div3A_1095 = vector.broadcast %broadcast_in_dim3A_1094 : vector<1x1xf32> to vector<2048x1xf32>
    %div3A_1096 = arith.divf %exp3A_1091, %div3A_1095 : vector<2048x1xf32>
    %swap3A_1097 = arith.constant 3 : index
    %swap3A_1098 = arith.constant 0 : index
    %swap3A_1099 = arith.constant 0 : index
    %swap3A_1100 = vector.load %arg20[%swap3A_1097, %swap3A_1098, %swap3A_1099] : memref<4x2048x1xf32, #tpu.memory_space<vmem>>, vector<1x2048x1xf32>
    %swap3A_1101 = vector.shape_cast %swap3A_1100 : vector<1x2048x1xf32> to vector<2048x1xf32>
    %swap3A_1102 = vector.shape_cast %div3A_1096 : vector<2048x1xf32> to vector<1x2048x1xf32>
    tpu.vector_store %arg20[%swap3A_1097, %swap3A_1098, %swap3A_1099], %swap3A_1102 {strides = array<i32>} : memref<4x2048x1xf32, #tpu.memory_space<vmem>>, vector<1x2048x1xf32>,
    return
  }
  func.func @transform_0(%arg0: i32) -> (i32, i32, i32) {
    %c0_i32 = arith.constant 0 : i32
    %c0_i32_0 = arith.constant 0 : i32
    %c0_i32_1 = arith.constant 0 : i32
    return %arg0, %c0_i32, %c0_i32_0 : i32, i32, i32
  }
  func.func @transform_1(%arg0: i32) -> (i32, i32, i32) {
    %c0_i32 = arith.constant 0 : i32
    %c0_i32_0 = arith.constant 0 : i32
    %c0_i32_1 = arith.constant 0 : i32
    return %arg0, %c0_i32, %c0_i32_0 : i32, i32, i32
  }
  func.func @transform_2(%arg0: i32) -> (i32, i32, i32) {
    %c0_i32 = arith.constant 0 : i32
    %c0_i32_0 = arith.constant 0 : i32
    %c0_i32_1 = arith.constant 0 : i32
    return %arg0, %c0_i32, %c0_i32_0 : i32, i32, i32
  }
  func.func @transform_3(%arg0: i32) -> (i32, i32, i32) {
    %c0_i32 = arith.constant 0 : i32
    %c0_i32_0 = arith.constant 0 : i32
    %c0_i32_1 = arith.constant 0 : i32
    return %arg0, %c0_i32, %c0_i32_0 : i32, i32, i32
  }
  func.func @transform_4(%arg0: i32) -> (i32, i32, i32) {
    %c0_i32 = arith.constant 0 : i32
    %c0_i32_0 = arith.constant 0 : i32
    %c0_i32_1 = arith.constant 0 : i32
    return %arg0, %c0_i32, %c0_i32_0 : i32, i32, i32
  }
  func.func @transform_5(%arg0: i32) -> (i32, i32) {
    %c0_i32 = arith.constant 0 : i32
    %c0_i32_0 = arith.constant 0 : i32
    %c0_i32_1 = arith.constant 0 : i32
    return %c0_i32, %c0_i32_0 : i32, i32
  }
  func.func @transform_6(%arg0: i32) -> (i32, i32) {
    %c0_i32 = arith.constant 0 : i32
    %c0_i32_0 = arith.constant 0 : i32
    %c0_i32_1 = arith.constant 0 : i32
    return %c0_i32, %c0_i32_0 : i32, i32
  }
  func.func @transform_7(%arg0: i32) -> (i32, i32) {
    %c0_i32 = arith.constant 0 : i32
    %c0_i32_0 = arith.constant 0 : i32
    %c0_i32_1 = arith.constant 0 : i32
    return %c0_i32, %c0_i32_0 : i32, i32
  }
  func.func @transform_8(%arg0: i32) -> (i32, i32) {
    %c0_i32 = arith.constant 0 : i32
    %c0_i32_0 = arith.constant 0 : i32
    %c0_i32_1 = arith.constant 0 : i32
    return %c0_i32, %c0_i32_0 : i32, i32
  }
  func.func @transform_9(%arg0: i32) -> (i32, i32) {
    %c0_i32 = arith.constant 0 : i32
    %c0_i32_0 = arith.constant 0 : i32
    %c0_i32_1 = arith.constant 0 : i32
    return %c0_i32, %c0_i32_0 : i32, i32
  }
  func.func @transform_10(%arg0: i32) -> (i32, i32) {
    %c0_i32 = arith.constant 0 : i32
    %c0_i32_0 = arith.constant 0 : i32
    %c0_i32_1 = arith.constant 0 : i32
    return %c0_i32, %c0_i32_0 : i32, i32
  }
  func.func @transform_11(%arg0: i32) -> (i32, i32) {
    %c0_i32 = arith.constant 0 : i32
    %c0_i32_0 = arith.constant 0 : i32
    %c0_i32_1 = arith.constant 0 : i32
    return %c0_i32, %c0_i32_0 : i32, i32
  }
  func.func @transform_12(%arg0: i32) -> (i32, i32) {
    %c0_i32 = arith.constant 0 : i32
    %c0_i32_0 = arith.constant 0 : i32
    %c0_i32_1 = arith.constant 0 : i32
    return %c0_i32, %c0_i32_0 : i32, i32
  }
  func.func @transform_13(%arg0: i32) -> (i32, i32) {
    %c0_i32 = arith.constant 0 : i32
    %c0_i32_0 = arith.constant 0 : i32
    %c0_i32_1 = arith.constant 0 : i32
    return %c0_i32, %c0_i32_0 : i32, i32
  }
  func.func @transform_14(%arg0: i32) -> (i32, i32) {
    %c0_i32 = arith.constant 0 : i32
    %c0_i32_0 = arith.constant 0 : i32
    %c0_i32_1 = arith.constant 0 : i32
    return %c0_i32, %c0_i32_0 : i32, i32
  }
  func.func @transform_15(%arg0: i32) -> (i32, i32) {
    %c0_i32 = arith.constant 0 : i32
    %c0_i32_0 = arith.constant 0 : i32
    %c0_i32_1 = arith.constant 0 : i32
    return %c0_i32, %c0_i32_0 : i32, i32
  }
  func.func @transform_16(%arg0: i32) -> (i32, i32) {
    %c0_i32 = arith.constant 0 : i32
    %c0_i32_0 = arith.constant 0 : i32
    %c0_i32_1 = arith.constant 0 : i32
    return %c0_i32, %c0_i32_0 : i32, i32
  }
  func.func @transform_17(%arg0: i32) -> (i32, i32) {
    %c0_i32 = arith.constant 0 : i32
    %c0_i32_0 = arith.constant 0 : i32
    %c0_i32_1 = arith.constant 0 : i32
    return %c0_i32, %c0_i32_0 : i32, i32
  }
  func.func @transform_18(%arg0: i32) -> (i32, i32) {
    %c0_i32 = arith.constant 0 : i32
    %c0_i32_0 = arith.constant 0 : i32
    %c0_i32_1 = arith.constant 0 : i32
    return %c0_i32, %c0_i32_0 : i32, i32
  }
  func.func @transform_19(%arg0: i32) -> (i32, i32, i32) {
    %c0_i32 = arith.constant 0 : i32
    %c0_i32_0 = arith.constant 0 : i32
    %c0_i32_1 = arith.constant 0 : i32
    return %arg0, %c0_i32, %c0_i32_0 : i32, i32, i32
  }
}

</mosaic_0001>

<sc_bundles>
// kernel: kernel.4.cloned.1.call-start
scs
__scs_entry_jumppad:
0x0: {  	(pc) =	sbr.rel $0x88, $3  }
0x1: {  	(tag) =	ssettag $0x0;
	lr =	simm.s32 $0x1  }
0x2: {  	[smem:$0x3F90] =	sst lr;
	_ =	strace $0xD0000000  }
0x3: {  	_ = 	snop  }
0x4: {  	_ = 	snop  }
0x5: {  	_ = 	snop  }
0x6: {  	_ = 	snop  }
0x7: {  	_ = 	snop  }
__scs_overlays_trampoline_lowered:
0x8: {  	[smem:$0x3F9F] =	sst s0  }
0x9: {  	[smem:$0x3FA0] =	sst s1  }
0xa: {  	[smem:$0x3FA1] =	sst s2  }
0xb: {  	[smem:$0x3FA2] =	sst s3  }
0xc: {  	[smem:$0x3FA3] =	sst s4  }
0xd: {  	[smem:$0x3FA4] =	sst s5  }
0xe: {  	[smem:$0x3FA5] =	sst s6  }
0xf: {  	[smem:$0x3FA6] =	sst s7  }
0x10: {  	[smem:$0x3FA7] =	sst s8  }
0x11: {  	[smem:$0x3FA8] =	sst s9;
	s0 =	simm.s32 @!p0 $0x0  }
0x12: {  	s1 =	sld [smem:$0x3F8E];
	s0 =	simm.s32 @p0 $0x1  }
0x13: {  	[smem:$0x3FA9] =	sst s0;
	s0 =	simm.s32 @!p1 $0x0  }
0x14: {  	s2 =	sld [smem:$0x3F8D];
	s0 =	simm.s32 @p1 $0x1  }
0x15: {  	[smem:$0x3FAA] =	sst s0;
	s0 =	simm.s32 @!p2 $0x0  }
0x16: {  	s3 =	sld [smem:$0x3FDB];
	s0 =	simm.s32 @p2 $0x1  }
0x17: {  	s4 =	simm.s32 $0x1BF5;
	[smem:$0x3FAC] =	sst s0  }
0x18: {  	s0 =	sld [smem:$0x3F8F];
	_ =	swait.ge [sflag:s4], $0x0  }
0x19: {  	s7 =	sld [smem:$0x3F90]  }
0x1a: {  	s8 =	sadd.s32 $0xFFFFE003, lr  }
0x1b: {  	s9 =	sadd.s32 $0xFFFFFEF7, lr;
	s5 =	simm.s32 $0xFFFFFFFF;
	p2 =	slt.u32 s8, $0xFFFFF086  }
0x1c: {  	p1 =	slt.u32 s9, $0xF7A;
	s5 =	simm.s32 @!p2 $0x0  }
0x1d: {  	s5 =	simm.s32 @p1 $0x1;
	p0 =	seq.s32 s7, s2  }
0x1e: {  	s7 =	smul.u32 @!p0 $0xF7A, s2;
	p2 =	seq.s32 @!p0 s5, $0x0  }
0x1f: {  	s9 =	smul.u32 $0xF7A, s1;
	s8 =	simm.s32 @!p0 $0x1BF5;
	p2 =	por !p2, p0  }
0x20: {  	[sflag:s8] =	ssyncset.s32 @!p0 $0xFFFFF086;
	s6 =	sadd.s32 @!p0 s3, s7;
	s7 =	simm.s32 @!p0 $0x108  }
0x21: {  	s3 =	sadd.s32 s3, s9;
	s6 =	sadd.s32 @!p0 $0x88, s6;
	s7 =	simm.s32 @p2 $0x1082  }
0x22: {  	[simem:s7], [sflag:s8] =	dma.local @!p0 [hbm:s6], $0xF7A  }
0x23: {  	s9 =	sor.u32 $0xD0000000, s2;
	s6 =	simm.s32 $0x108;
	_ =	swait.ge @!p0 [sflag:s8], $0x0  }
0x24: {  	s3 =	sadd.s32 $0x88, s3;
	s6 =	simm.s32 @!p1 $0x1082;
	[sflag:s4] =	ssyncset.s32 $0xFFFFF086  }
0x25: {  	[simem:s6], [sflag:s4] =	dma.local [hbm:s3], $0xF7A  }
0x26: {  	[smem:$0x3F90] =	sst s1;
	(tag) =	ssettag s2;
	_ =	strace s9  }
0x27: {  	s1 =	sld [smem:$0x3FA0]  }
0x28: {  	s2 =	sld [smem:$0x3FA1]  }
0x29: {  	s4 =	sld [smem:$0x3FA3]  }
0x2a: {  	p0 =	seq.s32 s5, $0x0;
	s5 =	sld [smem:$0x3FA4]  }
0x2b: {  	s6 =	sld [smem:$0x3FA5]  }
0x2c: {  	s7 =	sld [smem:$0x3FA6]  }
0x2d: {  	s3 =	simm.s32 $0x108;
	s8 =	sld [smem:$0x3FA7]  }
0x2e: {  	s3 =	simm.s32 @!p0 $0x1082;
	s9 =	sld [smem:$0x3FA8]  }
0x2f: {  	lr =	sadd.s32 s0, s3;
	s0 =	sld [smem:$0x3F9F]  }
0x30: {  	s3 =	sld [smem:$0x3FA2]  }
0x31: {  	[smem:$0x3FAB] =	sst s10  }
0x32: {  	s10 =	sld [smem:$0x3FA9];
	_ =	sdelay $0x3  }
0x33: {  	p0 =	seq.s32 s10, $0x1;
	s10 =	sld [smem:$0x3FAB];
	_ =	sdelay $0x3  }
0x34: {  	[smem:$0x3FAB] =	sst s10  }
0x35: {  	s10 =	sld [smem:$0x3FAA];
	_ =	sdelay $0x3  }
0x36: {  	p1 =	seq.s32 s10, $0x1;
	s10 =	sld [smem:$0x3FAB];
	_ =	sdelay $0x3  }
0x37: {  	[smem:$0x3FAB] =	sst s10  }
0x38: {  	s10 =	sld [smem:$0x3FAC]  }
0x39: {  	_ = 	snop;
	(pc) =	sbr.ind lr, $3  }
0x3a: {  	_ = 	snop  }
0x3b: {  	_ = 	snop  }
0x3c: {  	p2 =	seq.s32 s10, $0x1;
	s10 =	sld [smem:$0x3FAB]  }
0x3d: {  	_ =	shalt  }
0x3e: {  	_ =	shalt  }
0x3f: {  	_ =	shalt  }
0x40: {  	_ =	shalt  }
0x41: {  	_ =	shalt  }
0x42: {  	_ =	shalt  }
0x43: {  	_ =	shalt  }
0x44: {  	_ =	shalt  }
0x45: {  	_ =	shalt  }
0x46: {  	_ =	shalt  }
0x47: {  	_ =	shalt  }
0x48: {  	_ =	shalt  }
0x49: {  	_ =	shalt  }
0x4a: {  	_ =	shalt  }
0x4b: {  	_ =	shalt  }
0x4c: {  	_ =	shalt  }
0x4d: {  	_ =	shalt  }
0x4e: {  	_ =	shalt  }
0x4f: {  	_ =	shalt  }
0x50: {  	_ =	shalt  }
0x51: {  	_ =	shalt  }
0x52: {  	_ =	shalt  }
0x53: {  	_ =	shalt  }
0x54: {  	_ =	shalt  }
0x55: {  	_ =	shalt  }
0x56: {  	_ =	shalt  }
0x57: {  	_ =	shalt  }
0x58: {  	_ =	shalt  }
0x59: {  	_ =	shalt  }
0x5a: {  	_ =	shalt  }
0x5b: {  	_ =	shalt  }
0x5c: {  	_ =	shalt  }
0x5d: {  	_ =	shalt  }
0x5e: {  	_ =	shalt  }
0x5f: {  	_ =	shalt  }
0x60: {  	_ =	shalt  }
0x61: {  	_ =	shalt  }
0x62: {  	_ =	shalt  }
0x63: {  	_ =	shalt  }
0x64: {  	_ =	shalt  }
0x65: {  	_ =	shalt  }
0x66: {  	_ =	shalt  }
0x67: {  	_ =	shalt  }
0x68: {  	_ =	shalt  }
0x69: {  	_ =	shalt  }
0x6a: {  	_ =	shalt  }
0x6b: {  	_ =	shalt  }
0x6c: {  	_ =	shalt  }
0x6d: {  	_ =	shalt  }
0x6e: {  	_ =	shalt  }
0x6f: {  	_ =	shalt  }
0x70: {  	_ =	shalt  }
0x71: {  	_ =	shalt  }
0x72: {  	_ =	shalt  }
0x73: {  	_ =	shalt  }
0x74: {  	_ =	shalt  }
0x75: {  	_ =	shalt  }
0x76: {  	_ =	shalt  }
0x77: {  	_ =	shalt  }
0x78: {  	_ =	shalt  }
0x79: {  	_ =	shalt  }
0x7a: {  	_ =	shalt  }
0x7b: {  	_ =	shalt  }
0x7c: {  	_ =	shalt  }
0x7d: {  	_ =	shalt  }
0x7e: {  	_ =	shalt  }
0x7f: {  	_ =	shalt  }
0x80: {  	_ =	shalt  }
0x81: {  	_ =	shalt  }
0x82: {  	_ =	shalt  }
0x83: {  	_ =	shalt  }
0x84: {  	_ =	shalt  }
0x85: {  	_ =	shalt  }
0x86: {  	_ =	shalt  }
0x87: {  	_ =	shalt  }
.Lfunc_end0:
.L_simem_size_0:
called_computation_lowered:
.L_overlay_start_0:
0x88: {  	s2 =	sld [smem:$0x3FD9]  }
0x89: {  	s3 =	sld [smem:$0x3FFE];
	_ =	sdelay $0x1  }
0x8a: {  	s1 =	srdreg.scid  }
0x8b: {  	s0 =	sand.u32 $0x1, s1  }
0x8c: {  	s14 =	sshll.u32 s0, $0xA;
	s2 =	sadd.s32 s3, s2  }
0x8d: {  	s2 =	sadd.s32 s2, s14  }
0x8e: {  	[smem:$0x3FB7] =	sst s2  }
0x8f: {  	_ = 	snop  }
0x90: {  	s2 =	sld [smem:$0x3FD0];
	_ =	sdelay $0x2  }
0x91: {  	s15 =	simm.s32 $0xA;
	s4 =	simm.s32 $0x10  }
0x92: {  	[smem:s4], [sflag:s15] =	dma.local [hbm:s2], $0x1  }
0x93: {  	_ =	swait.eq [sflag:s15], $0x1  }
0x94: {  	[sflag:s15] =	ssyncset.done $0x0  }
0x95: {  	s16 =	sld [smem:$0x10];
	[sflag:s15] =	ssyncadd.s32 $0xFFFFFFFF  }
0x96: {  	s17 =	sld [smem:$0x11];
	(tm) =	ssettm $0x1  }
0x97: {  	s18 =	sld [smem:$0x3FFB];
	_ =	sdelay $0x3  }
0x98: {  	_ =	strace s18  }
0x99: {  	s4 =	sld [smem:$0x3FFC];
	_ =	sdelay $0x3  }
0x9a: {  	_ =	strace s4  }
0x9b: {  	s4 =	sld [smem:$0x3FFD];
	_ =	sdelay $0x3  }
0x9c: {  	_ =	strace s4  }
0x9d: {  	_ =	strace $0x8FFFFFFF  }
0x9e: {  	s19 =	sld [smem:$0x3FDB];
	_ =	sdelay $0x1  }
0x9f: {  	s5 =	simm.s32 $_scs_section_size  }
0xa0: {  	s6 =	simm.s32 $_size__tile_overlayer_lowered;
	s7 =	simm.s32 $_tile_overlayer_lowered  }
0xa1: {  	s22 =	simm.s32 $0x1BFF;
	s21 =	sshll.u32 s7, $0x1;
	s4 =	sadd.s32 s5, s19  }
0xa2: {  	s8 =	simm.s32 $0x0;
	s20 =	sshll.u32 s6, $0x1;
	s6 =	sadd.s32 s21, s4  }
0xa3: {  	[timem:s8], [sflag:s22] =	dma.local [hbm:s6], s20  }
0xa4: {  	_ =	swait.ge [sflag:s22], s20  }
0xa5: {  	s5 =	ssub.s32 $0x0, s20;
	[sflag:s22] =	ssyncset.done $0x0  }
0xa6: {  	[sflag:s22] =	ssyncadd.s32 s5;
	_ =	sdelay $0x1  }
0xa7: {  	s23 =	simm.s32 $0x1B8B  }
0xa8: {  	_ =	swait.ge [sflag:s23], $0x1  }
0xa9: {  	[sflag:s23] =	ssyncset.done $0x0  }
0xaa: {  	s25 =	simm.s32 $0x1B8E;
	s24 =	sld [smem:$0x3FFE];
	[sflag:s23] =	ssyncadd.s32 $0xFFFFFFFF  }
0xab: {  	s26 =	simm.s32 $execute0_lowered;
	[smem:$0x3FD2] =	sst s25  }
0xac: {  	s6 =	sshll.u32 s26, $0x1;
	_ =	strace $0x80000046;
	[dreg:$0x1] =	wrdreg $0xFFFFFFFF  }
0xad: {  	s28 =	simm.s32 $_size_execute0_lowered;
	s4 =	sadd.s32 s4, s6;
	[dreg:$0x0] =	wrdreg $0x0  }
0xae: {  	s6 =	sshll.u32 s28, $0x1;
	[dreg:$0x2] =	wrdreg s4  }
0xaf: {  	[dreg:$0x3] =	wrdreg s6  }
0xb0: {  	[dreg:$0x4] =	wrdreg $0xC0  }
0xb1: {  	_ =	task [dreg:s8], $0x5FFFF  }
0xb2: {  	[dreg:$0x1] =	wrdreg $0xFFFFFFFF  }
0xb3: {  	[dreg:$0x0] =	wrdreg $0x60  }
0xb4: {  	[dreg:$0x2] =	wrdreg s24  }
0xb5: {  	[dreg:$0x3] =	wrdreg s17  }
0xb6: {  	[dreg:$0x4] =	wrdreg s16  }
0xb7: {  	[dreg:$0x5] =	wrdreg $0x9  }
0xb8: {  	_ =	task.clear_ibuf [dreg:s8], $0x6FFFF;
	_ =	strace $0x90000046  }
0xb9: {  	s29 =	simm.s32 $0x9;
	_ =	strace $0x80000048  }
0xba: {  	_ =	swait.ge [sflag:s29], $0x1  }
0xbb: {  	[sflag:s29] =	ssyncadd.s32 $0xFFFFFFFF  }
0xbc: {  	_ =	strace $0x90000048  }
0xbd: {  	_ =	sfence  }
0xbe: {  	s30 =	sld [smem:$0x0];
	_ =	sdelay $0x2  }
0xbf: {  	s31 =	sshll.u32 s1, $0xD;
	s1 =	sshrl.u32 s1, $0x2  }
0xc0: {  	s3 =	sand.u32 $0x4000, s31;
	s1 =	sadd.s32 s1, s30  }
0xc1: {  	s0 =	sor.u32 s3, s0;
	s1 =	sshll.u32 s1, $0x11  }
0xc2: {  	s0 =	sor.u32 s1, s0  }
0xc3: {  	s0 =	sadd.s32 $0x8F2B, s0  }
0xc4: {  	[sflag:s0] =	ssyncadd.remote.s32 $0x1  }
0xc5: {  	_ =	sfence.sel $0xFFFF  }
0xc6: {  	[dreg:$0x0] =	wrdreg $0xFFFFFFFF;
	(pc) =	sbr.abs _section_cstart, $3  }
0xc7: {  	[dreg:$0x1] =	wrdreg $0xFFFFFFFF  }
0xc8: {  	_ =	task.clear_ibuf [dreg:s8], $0x2FFFF;
	_ =	strace $0x9FFFFFFF  }
0xc9: {  	(tm) =	ssettm $0x7FFFFFFF  }
tec
execute0_lowered:
.L_overlay_start_1:
0x0: {  	(tag) =	ssettag $0x1  }
0x1: {  	s3 =	rddreg [dreg:$0x0]  }
0x2: {  	s1 =	srdreg.scid;
	s4 =	rddreg [dreg:$0x1]  }
0x3: {  	s0 =	stileid.u32;
	s7 =	rddreg [dreg:$0x2]  }
0x4: {  	s11 =	simm.s32 $0x4800;
	s12 =	simm.s32 $0x0;
	s5 =	sand.u32 $0x1, s1  }
0x5: {  	s29 =	sshll.u32 s0, $0x8;
	s6 =	sshrl.u32 s0, $0x2;
	s2 =	sshll.u32 s5, $0x7  }
0x6: {  	s1 =	sand.u32 $0x300, s29;
	s9 =	sshll.u32 s6, $0x11;
	s5 =	ssub.s32 $0x2, s5  }
0x7: {  	s10 =	sshll.u32 s6, $0xE;
	s6 =	sshll.u32 s6, $0xC;
	s8 =	sor.u32 s2, s1  }
0x8: {  	s1 =	rddreg [dreg:$0x3];
	s2 =	simm.s32 $0x0;
	s30 =	sshrl.u32 s5, $0x1  }
0x9: {  	s9 =	sor.u32 s9, s8;
	[smem:$0x7FF] =	sst s2;
	s31 =	sor.u32 s10, s8  }
0xa: {  	s6 =	sor.u32 s6, s8;
	s8 =	simm.s32 $0x400;
	s10 =	simm.s32 $0x4000  }
0xb: {  	vm0 =	vcmask $0x1F14;
	vm1 =	vcmask $0xF04;
	s9 =	sshrl.u32 s9, $0x3;
	_ =	strace $0x80000047;
	s6 =	sshrl.u32 s6, $0x3  }
0xc: {  	vm0 =	vmor vm1, vm0;
	vm1 =	vcmask $0x2F24;
	s3 =	sadd.s32 s9, s3;
	s9 =	ssub.s32 s5, s30;
	s5 =	sshrl.u32 s31, $0x3  }
0xd: {  	v0 =	vimm.f32 $0.0e+00;
	vm0 =	vmor vm0, vm1;
	vm1 =	vcmask $0x3F34;
	s3 =	sadd.s32 $0x101C00, s3;
	s4 =	sadd.s32 s4, s5;
	s5 =	sadd.s32 s7, s6  }
0xe: {  	v1 =	vlaneseq.u32;
	v2 =	vimm.s32 $0x0;
	vm0 =	vmor vm0, vm1;
	s6 =	smax.u32 s9, $0x1;
	s7 =	simm.s32 $0x80;
	s9 =	simm.s32 $0x1  }
.LBB2_1:
0xf: {  	[tilespmem:s2], [sflag:$0x1] =	stream.strided.gather [hbm4b:s3+s7], $0x4000, s8, s7, $0x38;
	[tilespmem:$0x4A00] =	vst v63  }
0x10: {  	_ =	swait.ge [sflag:s9], $0x4000  }
0x11: {  	[sflag:s9] =	ssyncset.done $0x0  }
0x12: {  	[sflag:s9] =	ssyncadd.s32 $0xFFFFC000  }
0x13: {  	[tilespmem:s10], [sflag:$0x1] =	stream.strided.gather [hbm4b:s4+s7], $0x800, s8, s7, $0x38;
	[tilespmem:$0x4A00] =	vst v63  }
0x14: {  	_ =	swait.ge [sflag:s9], $0x800  }
0x15: {  	[sflag:s9] =	ssyncset.done $0x0  }
0x16: {  	[sflag:s9] =	ssyncadd.s32 $0xFFFFF800  }
0x17: {  	[tilespmem:$0x4800] =	vst v0  }
0x18: {  	[tilespmem:$0x4810] =	vst v0  }
0x19: {  	[tilespmem:$0x4820] =	vst v0  }
0x1a: {  	[tilespmem:$0x4830] =	vst v0  }
0x1b: {  	[tilespmem:$0x4840] =	vst v0  }
0x1c: {  	[tilespmem:$0x4850] =	vst v0  }
0x1d: {  	[tilespmem:$0x4860] =	vst v0  }
0x1e: {  	[tilespmem:$0x4870] =	vst v0  }
0x1f: {  	[tilespmem:$0x4880] =	vst v0  }
0x20: {  	[tilespmem:$0x4890] =	vst v0  }
0x21: {  	[tilespmem:$0x48A0] =	vst v0  }
0x22: {  	[tilespmem:$0x48B0] =	vst v0  }
0x23: {  	[tilespmem:$0x48C0] =	vst v0  }
0x24: {  	[tilespmem:$0x48D0] =	vst v0  }
0x25: {  	[tilespmem:$0x48E0] =	vst v0  }
0x26: {  	[tilespmem:$0x48F0] =	vst v0  }
0x27: {  	[tilespmem:$0x4900] =	vst v0  }
0x28: {  	[tilespmem:$0x4910] =	vst v0  }
0x29: {  	[tilespmem:$0x4920] =	vst v0  }
0x2a: {  	[tilespmem:$0x4930] =	vst v0  }
0x2b: {  	[tilespmem:$0x4940] =	vst v0  }
0x2c: {  	[tilespmem:$0x4950] =	vst v0  }
0x2d: {  	[tilespmem:$0x4960] =	vst v0  }
0x2e: {  	[tilespmem:$0x4970] =	vst v0  }
0x2f: {  	[tilespmem:$0x4980] =	vst v0  }
0x30: {  	[tilespmem:$0x4990] =	vst v0  }
0x31: {  	v3 =	vor.u32 s2, v1;
	[tilespmem:$0x49A0] =	vst v0  }
0x32: {  	v4 =	vshll.u32 v3, $0x1;
	[tilespmem:$0x49B0] =	vst v0  }
0x33: {  	[tilespmem:$0x49C0] =	vst v0  }
0x34: {  	[tilespmem:$0x49D0] =	vst v0  }
0x35: {  	[tilespmem:$0x49E0] =	vst v0  }
0x36: {  	[tilespmem:$0x49F0] =	vst v0  }
0x37: {  	v5 =	vld.idx.msk [tilespmem:v4+s2+$0x0], $0xffff;
	_ =	sdelay $0x1  }
0x38: {  	v6 =	vmov s2  }
0x39: {  	vm1 =	veq.s32 v6, v1  }
0x3a: {  	v3 =	vshrl.u32 v3, $0x2;
	vm1 =	vmand vm1, vm0  }
0x3b: {  	v6 =	vsel vm1, $0xFFFFFFFF, v2;
	v4 =	vor.u32 $0x1, v4;
	v5 =	vadd.f32 $5.000000000e-01, v5  }
0x3c: {  	v3 =	vadd.s32 v6, v3  }
0x3d: {  	v5 =	vtrunc.f32 v5  }
0x3e: {  	v5 =	vcvt.f32.s32 v5;
	_ =	sdelay $0x1  }
0x3f: {  	v4 =	vld.idx.msk [tilespmem:v4+s2+$0x0], $0xffff;
	vm1 =	vgt.s32 v5, $0x0  }
0x40: {  	v6 =	vnsel vm1, $0x0, v5;
	v5 =	vld.idx.msk [tilespmem:v3+s10+$0x0], $0xffff  }
0x41: {  	s13 =	simm.s32 $0x10  }
0x42: {  	s14 =	simm.s32 $0x20;
	v3 =	vor.u32 s13, v1;
	v6 =	vmin.u32 v6, $0x1FF  }
.LBB2_2:
0x43: {  	p0 =	sne.s32 s14, $0x1FF0;
	v7 =	vshll.u32 v3, $0x1;
	_ =	sdelay $0x1  }
0x44: {  	v4 =	vmul.f32 v5, v4;
	_ =	sdelay $0x1  }
0x45: {  	[tilespmem:v6+s11+$0x0] =	vst.idx.add.f32.msk $0xffff, v4  }
0x46: {  	v4 =	vld.idx.msk [tilespmem:v7+s2+$0x0], $0xffff  }
0x47: {  	v5 =	vmov s13;
	s13 =	smov.u32 s14  }
0x48: {  	vm1 =	veq.s32 v5, v1  }
0x49: {  	vm1 =	vmand vm1, vm0  }
0x4a: {  	v3 =	vshrl.u32 v3, $0x2;
	v5 =	vor.u32 $0x1, v7;
	v6 =	vsel vm1, $0xFFFFFFFF, v2  }
0x4b: {  	v3 =	vadd.s32 v6, v3  }
0x4c: {  	v4 =	vadd.f32 $5.000000000e-01, v4;
	_ =	sdelay $0x1  }
0x4d: {  	v6 =	vtrunc.f32 v4  }
.Ltmp0:
0x4e: {  	v6 =	vcvt.f32.s32 v6;
	v4 =	vld.idx.msk [tilespmem:v5+s2+$0x0], $0xffff;
	(pc) =	sbr.rel @p0 .LBB2_2-.Ltmp0, $4  }
0x4f: {  	v5 =	vld.idx.msk [tilespmem:v3+s10+$0x0], $0xffff  }
0x50: {  	vm1 =	vgt.s32 v6, $0x0  }
0x51: {  	v6 =	vnsel vm1, $0x0, v6  }
0x52: {  	s14 =	sadd.s32 $0x10, s14;
	v3 =	vor.u32 s13, v1;
	v6 =	vmin.u32 v6, $0x1FF  }
0x53: {  	v7 =	vshll.u32 v3, $0x1;
	_ =	sdelay $0x1  }
0x54: {  	v4 =	vmul.f32 v5, v4;
	_ =	sdelay $0x1  }
0x55: {  	[tilespmem:v6+s11+$0x0] =	vst.idx.add.f32.msk $0xffff, v4  }
0x56: {  	v4 =	vld.idx.msk [tilespmem:v7+s2+$0x0], $0xffff  }
0x57: {  	v61 =	vmov s13  }
0x58: {  	vm1 =	veq.s32 v61, v1  }
0x59: {  	vm1 =	vmand vm1, vm0  }
0x5a: {  	v3 =	vshrl.u32 v3, $0x2;
	v62 =	vor.u32 $0x1, v7;
	v63 =	vsel vm1, $0xFFFFFFFF, v2  }
0x5b: {  	v3 =	vadd.s32 v63, v3;
	v4 =	vadd.f32 $5.000000000e-01, v4;
	_ =	sdelay $0x1  }
0x5c: {  	v4 =	vtrunc.f32 v4  }
0x5d: {  	v4 =	vcvt.f32.s32 v4  }
0x5e: {  	v5 =	vld.idx.msk [tilespmem:v62+s2+$0x0], $0xffff  }
0x5f: {  	v3 =	vld.idx.msk [tilespmem:v3+s10+$0x0], $0xffff;
	vm1 =	vgt.s32 v4, $0x0  }
0x60: {  	v4 =	vnsel vm1, $0x0, v4  }
0x61: {  	v4 =	vmin.u32 v4, $0x1FF;
	_ =	sdelay $0x2  }
0x62: {  	s12 =	sadd.s32 $0x1, s12;
	v3 =	vmul.f32 v3, v5  }
0x63: {  	p0 =	sne.s32 s12, s6  }
.Ltmp1:
0x64: {  	[tilespmem:v4+s11+$0x0] =	vst.idx.add.f32.msk $0xffff, v3;
	(pc) =	sbr.rel @p0 .LBB2_1-.Ltmp1, $4  }
0x65: {  	[hbm4b:s5+s7] =	stream.strided.scatter [tilespmem:s11], [sflag:$0x1], $0x200, s8, s7, $0x38;
	[tilespmem:$0x4A00] =	vst v63  }
0x66: {  	_ =	swait.ge [sflag:s9], $0x200  }
0x67: {  	[sflag:s9] =	ssyncset.done $0x0  }
0x68: {  	[sflag:s9] =	ssyncadd.s32 $0xFFFFFE00  }
0x69: {  	_ =	sfence.sel $0x180000  }
0x6a: {  	[bflag:$0x0] =	sbarrier.arrive $0xFFFF  }
0x6b: {  	p0 =	sne.s32 s0, $0x0;
	_ =	strace $0x90000047  }
0x6c: {  	s0 =	sadd.s32 @!p0 $0x100000, s1;
	[bflag:$0x2] =	sbarrier.arrive $0xFFFF  }
0x6d: {  	[sflag:s0] =	ssyncadd.tile.s32 @!p0 $0x1;
	_ =	shalt  }
.Lfunc_end2:
_tile_overlayer_lowered:
.L_overlay_start_2:
0x6e: {  	(tag) =	ssettag $0x2  }
0x6f: {  	s0 =	rddreg [dreg:$0x0];
	s2 =	stileid.u32  }
0x70: {  	s1 =	rddreg [dreg:$0x1];
	p0 =	sne.s32 s2, $0x0  }
0x71: {  	s3 =	rddreg [dreg:$0x2];
	[bflag:$0x3] =	sbarrier.arrive $0xFFFF;
	s2 =	simm.s32 @!p0 $0x1C01  }
0x72: {  	[timem:s3], [sflag:s2] =	dma.local @!p0 [hbm:s0], s1  }
0x73: {  	s0 =	simm.s32 @!p0 $0x1  }
0x74: {  	_ =	swait.ge @!p0 [sflag:s0], s1  }
0x75: {  	s1 =	ssub.s32 @!p0 $0x0, s1;
	[sflag:s0] =	ssyncset.done @!p0 $0x0  }
0x76: {  	[sflag:s0] =	ssyncadd.s32 @!p0 s1  }
0x77: {  	[bflag:$0x3] =	sbarrier.arrive $0xFFFF  }
0x78: {  	_ =	shalt  }

</sc_bundles>
